<compile_context>
chip_gen: v7x
topology: tpu7x:2x2x1
jax: 0.10.2.dev20260603
libtpu: 0.0.44.dev20260713+nightly
codegen_flags: <defaults>
</compile_context>

<pallas_src>
import functools

import jax
import jax.numpy as jnp
from jax import lax
from jax.experimental import pallas as pl
from jax.experimental.pallas import tpu as pltpu
from jax.experimental.pallas import tpu_sc as plsc

DIM = 64
SEQ = 200
BATCH = 1024
NW = 32
SEQ_PER_W = BATCH // NW
SPLIT = 128
LANES = 16
NBUF = 4
DIMP = 128


def _make_kernel():
    mesh = plsc.VectorSubcoreMesh(core_axis_name="c", subcore_axis_name="s")

    scratch = (
        [pltpu.VMEM((SEQ,), jnp.int32) for _ in range(NBUF)]
        + [pltpu.VMEM((SEQ, DIMP), jnp.float32) for _ in range(NBUF)]
        + [pltpu.VMEM((SEQ, DIMP), jnp.float32)]
        + [pltpu.SemaphoreType.DMA for _ in range(2 * NBUF)]
    )

    @functools.partial(
        pl.kernel,
        mesh=mesh,
        compiler_params=pltpu.CompilerParams(
            use_tc_tiling_on_sc=True, needs_layout_passes=False),
        out_type=jax.ShapeDtypeStruct((BATCH * SEQ, DIMP), jnp.float32),
        scratch_types=scratch,
    )
    def k(ids_hbm, table_hbm, pe_hbm, out_hbm, *refs):
        idxs = refs[0:NBUF]
        bufs = refs[NBUF:2 * NBUF]
        pe_v = refs[2 * NBUF]
        gsems = refs[2 * NBUF + 1: 2 * NBUF + 1 + NBUF]
        osems = refs[2 * NBUF + 1 + NBUF: 2 * NBUF + 1 + 2 * NBUF]

        wid = lax.axis_index("s") * 2 + lax.axis_index("c")
        base_row = wid * SEQ_PER_W * SEQ
        pltpu.sync_copy(pe_hbm, pe_v)

        def start_gather(t, b):
            base = pl.multiple_of(base_row + t * SEQ, 8)
            pltpu.sync_copy(ids_hbm.at[pl.ds(base, SEQ)], idxs[b])
            pltpu.async_copy(table_hbm.at[idxs[b].at[pl.ds(0, SPLIT)]],
                             bufs[b].at[pl.ds(0, SPLIT)], gsems[b])
            pltpu.async_copy(table_hbm.at[idxs[b].at[pl.ds(SPLIT, SEQ - SPLIT)]],
                             bufs[b].at[pl.ds(SPLIT, SEQ - SPLIT)], gsems[b])

        def wait_gather(b):
            pltpu.make_async_copy(table_hbm.at[pl.ds(0, SEQ)], bufs[b],
                                  gsems[b]).wait()

        def add_pe(b):
            buf = bufs[b]

            @plsc.parallel_loop(0, SEQ, unroll=8)
            def _(r):
                for j in range(DIM // LANES):
                    plsc.addupdate(buf.at[r, pl.ds(j * LANES, LANES)],
                                   pe_v[r, pl.ds(j * LANES, LANES)])

        def process(t, b, regather):
            wait_gather(b)
            add_pe(b)
            cp = pltpu.async_copy(
                bufs[b],
                out_hbm.at[pl.ds(pl.multiple_of(base_row + t * SEQ, 8), SEQ)],
                osems[b])
            if regather:
                cp.wait()
                start_gather(t + NBUF, b)
            return cp

        for b in range(NBUF):
            start_gather(b, b)

        @pl.loop(0, SEQ_PER_W - NBUF, step=NBUF)
        def _(g):
            for b in range(NBUF):
                process(g + b, b, regather=True)

        tail = []
        for b in range(NBUF):
            tail.append(process(SEQ_PER_W - NBUF + b, b, regather=False))
        for cp in tail:
            cp.wait()

    return k


def kernel(input_ids, table, pos_enc):
    ids_flat = input_ids.reshape(-1).astype(jnp.int32)
    tabp = jnp.pad(table, ((0, 0), (0, DIMP - DIM)))
    pe = jnp.pad(pos_enc.reshape(SEQ, DIM), ((0, 0), (0, DIMP - DIM)))
    out = _make_kernel()(ids_flat, tabp, pe)
    return out[:, :DIM].reshape(BATCH, SEQ, DIM)

# --- scband reference (transcript-rebuilt; emitter-appended) ---
"""Pipeline reference for scband-embedding-with-positional-encoding-27367531610187 (READ-ONLY COPY).

The authoritative reference and input builder live on the scoring server;
editing this copy changes nothing except your own understanding.
"""

import jax, jax.numpy as jnp
import numpy as np

VOCAB = 1000000
DIM = 64
MAX_LEN = 200
BATCH = 1024
SEQ = 200


def make_positional_encoding(max_len, d_model):
    pos = np.arange(max_len, dtype=np.float32)[:, None]
    div_term = np.exp(np.arange(0, d_model, 2, dtype=np.float32) * (-np.log(10000.0) / d_model))
    pe = np.zeros((max_len, d_model), dtype=np.float32)
    pe[:, 0::2] = np.sin(pos * div_term)
    pe[:, 1::2] = np.cos(pos * div_term)
    return jnp.asarray(pe[None])  # [1, max_len, d_model]


def setup_inputs(seed: int = 0) -> dict:
    key = jax.random.key(seed)
    k1, k2 = jax.random.split(key)
    input_ids = jax.random.randint(k1, (BATCH, SEQ), 0, VOCAB, dtype=jnp.int64 if jax.config.jax_enable_x64 else jnp.int32)
    table = jax.random.normal(k2, (VOCAB, DIM), dtype=jnp.float32)
    pos_enc = make_positional_encoding(MAX_LEN, DIM)
    return {"input_ids": input_ids, "table": table, "pos_enc": pos_enc}


def reference(input_ids, table, pos_enc):
    seq_len = input_ids.shape[1]
    embeddings = jnp.take(table, input_ids, axis=0)  # [B, S, D] gather
    return embeddings + pos_enc[:, :seq_len, :]

if __name__ == "__main__":
    import jax
    _d = setup_inputs()
    print(jax.jit(kernel)(*tuple(_d.values())))

</pallas_src>

<mosaic_0001>
#map = affine_map<(d0, d1) -> (0)>
#map1 = affine_map<(d0, d1) -> (0, 0)>
module attributes {stable_mosaic.version = 14 : i64} {
  func.func @k(%arg0: i32, %arg1: i32, %arg2: memref<204800xi32, #tpu.memory_space<hbm>>, %arg3: memref<1000000x128xf32, #tpu.memory_space<hbm>>, %arg4: memref<200x128xf32, #tpu.memory_space<hbm>>, %arg5: memref<204800x128xf32, #tpu.memory_space<hbm>>, %arg6: memref<200xi32, #tpu.memory_space<vmem>>, %arg7: memref<200xi32, #tpu.memory_space<vmem>>, %arg8: memref<200xi32, #tpu.memory_space<vmem>>, %arg9: memref<200xi32, #tpu.memory_space<vmem>>, %arg10: memref<200x128xf32, #tpu.memory_space<vmem>>, %arg11: memref<200x128xf32, #tpu.memory_space<vmem>>, %arg12: memref<200x128xf32, #tpu.memory_space<vmem>>, %arg13: memref<200x128xf32, #tpu.memory_space<vmem>>, %arg14: memref<200x128xf32, #tpu.memory_space<vmem>>, %arg15: memref<!tpu.dma_semaphore, #tpu.memory_space<semaphore_mem>>, %arg16: memref<!tpu.dma_semaphore, #tpu.memory_space<semaphore_mem>>, %arg17: memref<!tpu.dma_semaphore, #tpu.memory_space<semaphore_mem>>, %arg18: memref<!tpu.dma_semaphore, #tpu.memory_space<semaphore_mem>>, %arg19: memref<!tpu.dma_semaphore, #tpu.memory_space<semaphore_mem>>, %arg20: memref<!tpu.dma_semaphore, #tpu.memory_space<semaphore_mem>>, %arg21: memref<!tpu.dma_semaphore, #tpu.memory_space<semaphore_mem>>, %arg22: memref<!tpu.dma_semaphore, #tpu.memory_space<semaphore_mem>>) attributes {dimension_semantics = [#tpu.dimension_semantics<core_parallel>, #tpu.dimension_semantics<subcore_parallel>], iteration_bounds = array<i64: 2, 16>, scalar_prefetch = 0 : i64, scratch_operands = 17 : i64, tpu.core_type = #tpu.core_type<sc_vector_subcore>, window_params = [{transform_indices = #map}, {transform_indices = #map1}, {transform_indices = #map1}, {transform_indices = #map1}]} {
    %mul3A = arith.constant 2 : i32
    %mul3A_0 = arith.muli %arg1, %mul3A : i32
    %add3A = arith.addi %mul3A_0, %arg0 : i32
    %mul3A_1 = arith.constant 32 : i32
    %mul3A_2 = arith.muli %add3A, %mul3A_1 : i32
    %mul3A_3 = arith.constant 200 : i32
    %mul3A_4 = arith.muli %mul3A_2, %mul3A_3 : i32
    "tpu.region"() ({
      %run_scoped3A = tpu.sem_alloc : memref<!tpu.dma_semaphore, #tpu.memory_space<semaphore_mem>>
      tpu.enqueue_dma source(%arg4 : memref<200x128xf32, #tpu.memory_space<hbm>>) target(%arg14 : memref<200x128xf32, #tpu.memory_space<vmem>>) target_semaphore(%run_scoped3A : memref<!tpu.dma_semaphore, #tpu.memory_space<semaphore_mem>>)
      tpu.wait_dma2 semaphore(%run_scoped3A : memref<!tpu.dma_semaphore, #tpu.memory_space<semaphore_mem>>) src(%arg4 : memref<200x128xf32, #tpu.memory_space<hbm>>) dst(%arg14 : memref<200x128xf32, #tpu.memory_space<vmem>>)
      tpu.yield
    }) : () -> ()
    %add3A_5 = arith.constant 0 : i32
    %add3A_6 = arith.addi %mul3A_4, %add3A_5 : i32
    %multiple_of3A = tpu.assume_multiple %add3A_6, 8 : i32
    "tpu.region"() ({
      %run_scoped3A = tpu.sem_alloc : memref<!tpu.dma_semaphore, #tpu.memory_space<semaphore_mem>>
      %dma_start3A_161 = tpu.memref_slice %arg2[%multiple_of3A] : memref<204800xi32, #tpu.memory_space<hbm>> -> memref<200xi32, #tpu.memory_space<hbm>>
      %dma_start3A_162 = tpu.memref_slice %arg2[%multiple_of3A] : memref<204800xi32, #tpu.memory_space<hbm>> -> memref<200xi32, #tpu.memory_space<hbm>>
      tpu.enqueue_dma source(%dma_start3A_162 : memref<200xi32, #tpu.memory_space<hbm>>) target(%arg6 : memref<200xi32, #tpu.memory_space<vmem>>) target_semaphore(%run_scoped3A : memref<!tpu.dma_semaphore, #tpu.memory_space<semaphore_mem>>)
      %dma_wait3A_163 = tpu.memref_slice %arg2[%multiple_of3A] : memref<204800xi32, #tpu.memory_space<hbm>> -> memref<200xi32, #tpu.memory_space<hbm>>
      %dma_wait3A_164 = tpu.memref_slice %arg2[%multiple_of3A] : memref<204800xi32, #tpu.memory_space<hbm>> -> memref<200xi32, #tpu.memory_space<hbm>>
      tpu.wait_dma2 semaphore(%run_scoped3A : memref<!tpu.dma_semaphore, #tpu.memory_space<semaphore_mem>>) src(%dma_wait3A_164 : memref<200xi32, #tpu.memory_space<hbm>>) dst(%arg6 : memref<200xi32, #tpu.memory_space<vmem>>)
      tpu.yield
    }) : () -> ()
    %dma_start3A = arith.constant 0 : i32
    %dma_start3A_7 = arith.constant 0 : i32
    %dma_start3A_8 = tpu.memref_slice %arg10[%dma_start3A, %dma_start3A_7] : memref<200x128xf32, #tpu.memory_space<vmem>> -> memref<128x128xf32, #tpu.memory_space<vmem>>
    %dma_start3A_9 = arith.constant 0 : i32
    %dma_start3A_10 = tpu.memref_slice %arg6[%dma_start3A_9] : memref<200xi32, #tpu.memory_space<vmem>> -> memref<128xi32, #tpu.memory_space<vmem>>
    %dma_start3A_11 = arith.constant 0 : i32
    %dma_start3A_12 = arith.constant 0 : i32
    %dma_start3A_13 = tpu.memref_slice %arg3[%dma_start3A_11, %dma_start3A_12] : memref<1000000x128xf32, #tpu.memory_space<hbm>> -> memref<1000000x128xf32, #tpu.memory_space<hbm>>
    tpu.enqueue_indirect_dma source(%dma_start3A_13 : memref<1000000x128xf32, #tpu.memory_space<hbm>>) target(%dma_start3A_8 : memref<128x128xf32, #tpu.memory_space<vmem>>) offsets(%dma_start3A_10 : memref<128xi32, #tpu.memory_space<vmem>>) semaphore(%arg15 : memref<!tpu.dma_semaphore, #tpu.memory_space<semaphore_mem>>)
    %dma_start3A_14 = arith.constant 128 : i32
    %dma_start3A_15 = arith.constant 0 : i32
    %dma_start3A_16 = tpu.memref_slice %arg10[%dma_start3A_14, %dma_start3A_15] : memref<200x128xf32, #tpu.memory_space<vmem>> -> memref<72x128xf32, #tpu.memory_space<vmem>>
    %dma_start3A_17 = arith.constant 128 : i32
    %dma_start3A_18 = tpu.memref_slice %arg6[%dma_start3A_17] : memref<200xi32, #tpu.memory_space<vmem>> -> memref<72xi32, #tpu.memory_space<vmem>>
    %dma_start3A_19 = arith.constant 0 : i32
    %dma_start3A_20 = arith.constant 0 : i32
    %dma_start3A_21 = tpu.memref_slice %arg3[%dma_start3A_19, %dma_start3A_20] : memref<1000000x128xf32, #tpu.memory_space<hbm>> -> memref<1000000x128xf32, #tpu.memory_space<hbm>>
    tpu.enqueue_indirect_dma source(%dma_start3A_21 : memref<1000000x128xf32, #tpu.memory_space<hbm>>) target(%dma_start3A_16 : memref<72x128xf32, #tpu.memory_space<vmem>>) offsets(%dma_start3A_18 : memref<72xi32, #tpu.memory_space<vmem>>) semaphore(%arg15 : memref<!tpu.dma_semaphore, #tpu.memory_space<semaphore_mem>>)
    %add3A_22 = arith.constant 200 : i32
    %add3A_23 = arith.addi %mul3A_4, %add3A_22 : i32
    %multiple_of3A_24 = tpu.assume_multiple %add3A_23, 8 : i32
    "tpu.region"() ({
      %run_scoped3A = tpu.sem_alloc : memref<!tpu.dma_semaphore, #tpu.memory_space<semaphore_mem>>
      %dma_start3A_161 = tpu.memref_slice %arg2[%multiple_of3A_24] : memref<204800xi32, #tpu.memory_space<hbm>> -> memref<200xi32, #tpu.memory_space<hbm>>
      %dma_start3A_162 = tpu.memref_slice %arg2[%multiple_of3A_24] : memref<204800xi32, #tpu.memory_space<hbm>> -> memref<200xi32, #tpu.memory_space<hbm>>
      tpu.enqueue_dma source(%dma_start3A_162 : memref<200xi32, #tpu.memory_space<hbm>>) target(%arg7 : memref<200xi32, #tpu.memory_space<vmem>>) target_semaphore(%run_scoped3A : memref<!tpu.dma_semaphore, #tpu.memory_space<semaphore_mem>>)
      %dma_wait3A_163 = tpu.memref_slice %arg2[%multiple_of3A_24] : memref<204800xi32, #tpu.memory_space<hbm>> -> memref<200xi32, #tpu.memory_space<hbm>>
      %dma_wait3A_164 = tpu.memref_slice %arg2[%multiple_of3A_24] : memref<204800xi32, #tpu.memory_space<hbm>> -> memref<200xi32, #tpu.memory_space<hbm>>
      tpu.wait_dma2 semaphore(%run_scoped3A : memref<!tpu.dma_semaphore, #tpu.memory_space<semaphore_mem>>) src(%dma_wait3A_164 : memref<200xi32, #tpu.memory_space<hbm>>) dst(%arg7 : memref<200xi32, #tpu.memory_space<vmem>>)
      tpu.yield
    }) : () -> ()
    %dma_start3A_25 = arith.constant 0 : i32
    %dma_start3A_26 = arith.constant 0 : i32
    %dma_start3A_27 = tpu.memref_slice %arg11[%dma_start3A_25, %dma_start3A_26] : memref<200x128xf32, #tpu.memory_space<vmem>> -> memref<128x128xf32, #tpu.memory_space<vmem>>
    %dma_start3A_28 = arith.constant 0 : i32
    %dma_start3A_29 = tpu.memref_slice %arg7[%dma_start3A_28] : memref<200xi32, #tpu.memory_space<vmem>> -> memref<128xi32, #tpu.memory_space<vmem>>
    %dma_start3A_30 = arith.constant 0 : i32
    %dma_start3A_31 = arith.constant 0 : i32
    %dma_start3A_32 = tpu.memref_slice %arg3[%dma_start3A_30, %dma_start3A_31] : memref<1000000x128xf32, #tpu.memory_space<hbm>> -> memref<1000000x128xf32, #tpu.memory_space<hbm>>
    tpu.enqueue_indirect_dma source(%dma_start3A_32 : memref<1000000x128xf32, #tpu.memory_space<hbm>>) target(%dma_start3A_27 : memref<128x128xf32, #tpu.memory_space<vmem>>) offsets(%dma_start3A_29 : memref<128xi32, #tpu.memory_space<vmem>>) semaphore(%arg16 : memref<!tpu.dma_semaphore, #tpu.memory_space<semaphore_mem>>)
    %dma_start3A_33 = arith.constant 128 : i32
    %dma_start3A_34 = arith.constant 0 : i32
    %dma_start3A_35 = tpu.memref_slice %arg11[%dma_start3A_33, %dma_start3A_34] : memref<200x128xf32, #tpu.memory_space<vmem>> -> memref<72x128xf32, #tpu.memory_space<vmem>>
    %dma_start3A_36 = arith.constant 128 : i32
    %dma_start3A_37 = tpu.memref_slice %arg7[%dma_start3A_36] : memref<200xi32, #tpu.memory_space<vmem>> -> memref<72xi32, #tpu.memory_space<vmem>>
    %dma_start3A_38 = arith.constant 0 : i32
    %dma_start3A_39 = arith.constant 0 : i32
    %dma_start3A_40 = tpu.memref_slice %arg3[%dma_start3A_38, %dma_start3A_39] : memref<1000000x128xf32, #tpu.memory_space<hbm>> -> memref<1000000x128xf32, #tpu.memory_space<hbm>>
    tpu.enqueue_indirect_dma source(%dma_start3A_40 : memref<1000000x128xf32, #tpu.memory_space<hbm>>) target(%dma_start3A_35 : memref<72x128xf32, #tpu.memory_space<vmem>>) offsets(%dma_start3A_37 : memref<72xi32, #tpu.memory_space<vmem>>) semaphore(%arg16 : memref<!tpu.dma_semaphore, #tpu.memory_space<semaphore_mem>>)
    %add3A_41 = arith.constant 400 : i32
    %add3A_42 = arith.addi %mul3A_4, %add3A_41 : i32
    %multiple_of3A_43 = tpu.assume_multiple %add3A_42, 8 : i32
    "tpu.region"() ({
      %run_scoped3A = tpu.sem_alloc : memref<!tpu.dma_semaphore, #tpu.memory_space<semaphore_mem>>
      %dma_start3A_161 = tpu.memref_slice %arg2[%multiple_of3A_43] : memref<204800xi32, #tpu.memory_space<hbm>> -> memref<200xi32, #tpu.memory_space<hbm>>
      %dma_start3A_162 = tpu.memref_slice %arg2[%multiple_of3A_43] : memref<204800xi32, #tpu.memory_space<hbm>> -> memref<200xi32, #tpu.memory_space<hbm>>
      tpu.enqueue_dma source(%dma_start3A_162 : memref<200xi32, #tpu.memory_space<hbm>>) target(%arg8 : memref<200xi32, #tpu.memory_space<vmem>>) target_semaphore(%run_scoped3A : memref<!tpu.dma_semaphore, #tpu.memory_space<semaphore_mem>>)
      %dma_wait3A_163 = tpu.memref_slice %arg2[%multiple_of3A_43] : memref<204800xi32, #tpu.memory_space<hbm>> -> memref<200xi32, #tpu.memory_space<hbm>>
      %dma_wait3A_164 = tpu.memref_slice %arg2[%multiple_of3A_43] : memref<204800xi32, #tpu.memory_space<hbm>> -> memref<200xi32, #tpu.memory_space<hbm>>
      tpu.wait_dma2 semaphore(%run_scoped3A : memref<!tpu.dma_semaphore, #tpu.memory_space<semaphore_mem>>) src(%dma_wait3A_164 : memref<200xi32, #tpu.memory_space<hbm>>) dst(%arg8 : memref<200xi32, #tpu.memory_space<vmem>>)
      tpu.yield
    }) : () -> ()
    %dma_start3A_44 = arith.constant 0 : i32
    %dma_start3A_45 = arith.constant 0 : i32
    %dma_start3A_46 = tpu.memref_slice %arg12[%dma_start3A_44, %dma_start3A_45] : memref<200x128xf32, #tpu.memory_space<vmem>> -> memref<128x128xf32, #tpu.memory_space<vmem>>
    %dma_start3A_47 = arith.constant 0 : i32
    %dma_start3A_48 = tpu.memref_slice %arg8[%dma_start3A_47] : memref<200xi32, #tpu.memory_space<vmem>> -> memref<128xi32, #tpu.memory_space<vmem>>
    %dma_start3A_49 = arith.constant 0 : i32
    %dma_start3A_50 = arith.constant 0 : i32
    %dma_start3A_51 = tpu.memref_slice %arg3[%dma_start3A_49, %dma_start3A_50] : memref<1000000x128xf32, #tpu.memory_space<hbm>> -> memref<1000000x128xf32, #tpu.memory_space<hbm>>
    tpu.enqueue_indirect_dma source(%dma_start3A_51 : memref<1000000x128xf32, #tpu.memory_space<hbm>>) target(%dma_start3A_46 : memref<128x128xf32, #tpu.memory_space<vmem>>) offsets(%dma_start3A_48 : memref<128xi32, #tpu.memory_space<vmem>>) semaphore(%arg17 : memref<!tpu.dma_semaphore, #tpu.memory_space<semaphore_mem>>)
    %dma_start3A_52 = arith.constant 128 : i32
    %dma_start3A_53 = arith.constant 0 : i32
    %dma_start3A_54 = tpu.memref_slice %arg12[%dma_start3A_52, %dma_start3A_53] : memref<200x128xf32, #tpu.memory_space<vmem>> -> memref<72x128xf32, #tpu.memory_space<vmem>>
    %dma_start3A_55 = arith.constant 128 : i32
    %dma_start3A_56 = tpu.memref_slice %arg8[%dma_start3A_55] : memref<200xi32, #tpu.memory_space<vmem>> -> memref<72xi32, #tpu.memory_space<vmem>>
    %dma_start3A_57 = arith.constant 0 : i32
    %dma_start3A_58 = arith.constant 0 : i32
    %dma_start3A_59 = tpu.memref_slice %arg3[%dma_start3A_57, %dma_start3A_58] : memref<1000000x128xf32, #tpu.memory_space<hbm>> -> memref<1000000x128xf32, #tpu.memory_space<hbm>>
    tpu.enqueue_indirect_dma source(%dma_start3A_59 : memref<1000000x128xf32, #tpu.memory_space<hbm>>) target(%dma_start3A_54 : memref<72x128xf32, #tpu.memory_space<vmem>>) offsets(%dma_start3A_56 : memref<72xi32, #tpu.memory_space<vmem>>) semaphore(%arg17 : memref<!tpu.dma_semaphore, #tpu.memory_space<semaphore_mem>>)
    %add3A_60 = arith.constant 600 : i32
    %add3A_61 = arith.addi %mul3A_4, %add3A_60 : i32
    %multiple_of3A_62 = tpu.assume_multiple %add3A_61, 8 : i32
    "tpu.region"() ({
      %run_scoped3A = tpu.sem_alloc : memref<!tpu.dma_semaphore, #tpu.memory_space<semaphore_mem>>
      %dma_start3A_161 = tpu.memref_slice %arg2[%multiple_of3A_62] : memref<204800xi32, #tpu.memory_space<hbm>> -> memref<200xi32, #tpu.memory_space<hbm>>
      %dma_start3A_162 = tpu.memref_slice %arg2[%multiple_of3A_62] : memref<204800xi32, #tpu.memory_space<hbm>> -> memref<200xi32, #tpu.memory_space<hbm>>
      tpu.enqueue_dma source(%dma_start3A_162 : memref<200xi32, #tpu.memory_space<hbm>>) target(%arg9 : memref<200xi32, #tpu.memory_space<vmem>>) target_semaphore(%run_scoped3A : memref<!tpu.dma_semaphore, #tpu.memory_space<semaphore_mem>>)
      %dma_wait3A_163 = tpu.memref_slice %arg2[%multiple_of3A_62] : memref<204800xi32, #tpu.memory_space<hbm>> -> memref<200xi32, #tpu.memory_space<hbm>>
      %dma_wait3A_164 = tpu.memref_slice %arg2[%multiple_of3A_62] : memref<204800xi32, #tpu.memory_space<hbm>> -> memref<200xi32, #tpu.memory_space<hbm>>
      tpu.wait_dma2 semaphore(%run_scoped3A : memref<!tpu.dma_semaphore, #tpu.memory_space<semaphore_mem>>) src(%dma_wait3A_164 : memref<200xi32, #tpu.memory_space<hbm>>) dst(%arg9 : memref<200xi32, #tpu.memory_space<vmem>>)
      tpu.yield
    }) : () -> ()
    %dma_start3A_63 = arith.constant 0 : i32
    %dma_start3A_64 = arith.constant 0 : i32
    %dma_start3A_65 = tpu.memref_slice %arg13[%dma_start3A_63, %dma_start3A_64] : memref<200x128xf32, #tpu.memory_space<vmem>> -> memref<128x128xf32, #tpu.memory_space<vmem>>
    %dma_start3A_66 = arith.constant 0 : i32
    %dma_start3A_67 = tpu.memref_slice %arg9[%dma_start3A_66] : memref<200xi32, #tpu.memory_space<vmem>> -> memref<128xi32, #tpu.memory_space<vmem>>
    %dma_start3A_68 = arith.constant 0 : i32
    %dma_start3A_69 = arith.constant 0 : i32
    %dma_start3A_70 = tpu.memref_slice %arg3[%dma_start3A_68, %dma_start3A_69] : memref<1000000x128xf32, #tpu.memory_space<hbm>> -> memref<1000000x128xf32, #tpu.memory_space<hbm>>
    tpu.enqueue_indirect_dma source(%dma_start3A_70 : memref<1000000x128xf32, #tpu.memory_space<hbm>>) target(%dma_start3A_65 : memref<128x128xf32, #tpu.memory_space<vmem>>) offsets(%dma_start3A_67 : memref<128xi32, #tpu.memory_space<vmem>>) semaphore(%arg18 : memref<!tpu.dma_semaphore, #tpu.memory_space<semaphore_mem>>)
    %dma_start3A_71 = arith.constant 128 : i32
    %dma_start3A_72 = arith.constant 0 : i32
    %dma_start3A_73 = tpu.memref_slice %arg13[%dma_start3A_71, %dma_start3A_72] : memref<200x128xf32, #tpu.memory_space<vmem>> -> memref<72x128xf32, #tpu.memory_space<vmem>>
    %dma_start3A_74 = arith.constant 128 : i32
    %dma_start3A_75 = tpu.memref_slice %arg9[%dma_start3A_74] : memref<200xi32, #tpu.memory_space<vmem>> -> memref<72xi32, #tpu.memory_space<vmem>>
    %dma_start3A_76 = arith.constant 0 : i32
    %dma_start3A_77 = arith.constant 0 : i32
    %dma_start3A_78 = tpu.memref_slice %arg3[%dma_start3A_76, %dma_start3A_77] : memref<1000000x128xf32, #tpu.memory_space<hbm>> -> memref<1000000x128xf32, #tpu.memory_space<hbm>>
    tpu.enqueue_indirect_dma source(%dma_start3A_78 : memref<1000000x128xf32, #tpu.memory_space<hbm>>) target(%dma_start3A_73 : memref<72x128xf32, #tpu.memory_space<vmem>>) offsets(%dma_start3A_75 : memref<72xi32, #tpu.memory_space<vmem>>) semaphore(%arg18 : memref<!tpu.dma_semaphore, #tpu.memory_space<semaphore_mem>>)
    %scan3A = arith.constant 0 : i32
    %scan3A_79 = arith.constant 7 : i32
    %scan3A_80 = arith.addi %scan3A, %scan3A_79 : i32
    %scan3A_81 = arith.constant 1 : i32
    scf.for %scan3A_161 = %scan3A to %scan3A_80 step %scan3A_81  : i32 {
      %mul3A_162 = arith.constant 4 : i32
      %mul3A_163 = arith.muli %scan3A_161, %mul3A_162 : i32
      %add3A_164 = arith.constant 0 : i32
      %add3A_165 = arith.addi %add3A_164, %mul3A_163 : i32
      %add3A_166 = arith.constant 0 : i32
      %add3A_167 = arith.addi %add3A_165, %add3A_166 : i32
      %dma_wait3A_168 = arith.constant 0 : i32
      %dma_wait3A_169 = arith.constant 0 : i32
      %dma_wait3A_170 = tpu.memref_slice %arg3[%dma_wait3A_168, %dma_wait3A_169] : memref<1000000x128xf32, #tpu.memory_space<hbm>> -> memref<200x128xf32, #tpu.memory_space<hbm>>
      %dma_wait3A_171 = arith.constant 0 : i32
      %dma_wait3A_172 = arith.constant 0 : i32
      %dma_wait3A_173 = tpu.memref_slice %arg3[%dma_wait3A_171, %dma_wait3A_172] : memref<1000000x128xf32, #tpu.memory_space<hbm>> -> memref<200x128xf32, #tpu.memory_space<hbm>>
      tpu.wait_dma2 semaphore(%arg15 : memref<!tpu.dma_semaphore, #tpu.memory_space<semaphore_mem>>) src(%dma_wait3A_173 : memref<200x128xf32, #tpu.memory_space<hbm>>) dst(%arg10 : memref<200x128xf32, #tpu.memory_space<vmem>>)
      %parallel_loop3A_174 = arith.constant 0 : i32
      %parallel_loop3A_175 = arith.constant 200 : i32
      %parallel_loop3A_176 = arith.constant 1 : i32
      scf.for %parallel_loop3A_346 = %parallel_loop3A_174 to %parallel_loop3A_175 step %parallel_loop3A_176  : i32 {
        %parallel_loop3A_347 = arith.index_cast %parallel_loop3A_346 : i32 to index
        %parallel_loop3A_348 = arith.constant 0 : index
        %parallel_loop3A_349 = tpu.vector_load %arg14[%parallel_loop3A_347, %parallel_loop3A_348] {strides = array<i32>} : memref<200x128xf32, #tpu.memory_space<vmem>>, vector<16xf32>,
        %parallel_loop3A_350 = arith.index_cast %parallel_loop3A_346 : i32 to index
        %parallel_loop3A_351 = arith.constant 0 : index
        %parallel_loop3A_352 = tpu.vector_load %arg10[%parallel_loop3A_350, %parallel_loop3A_351] {strides = array<i32>} : memref<200x128xf32, #tpu.memory_space<vmem>>, vector<16xf32>,
        tpu.vector_store %arg10[%parallel_loop3A_350, %parallel_loop3A_351], %parallel_loop3A_349 {add = true, strides = array<i32>} : memref<200x128xf32, #tpu.memory_space<vmem>>, vector<16xf32>,
        %parallel_loop3A_353 = arith.index_cast %parallel_loop3A_346 : i32 to index
        %parallel_loop3A_354 = arith.constant 16 : index
        %parallel_loop3A_355 = tpu.vector_load %arg14[%parallel_loop3A_353, %parallel_loop3A_354] {strides = array<i32>} : memref<200x128xf32, #tpu.memory_space<vmem>>, vector<16xf32>,
        %parallel_loop3A_356 = arith.index_cast %parallel_loop3A_346 : i32 to index
        %parallel_loop3A_357 = arith.constant 16 : index
        %parallel_loop3A_358 = tpu.vector_load %arg10[%parallel_loop3A_356, %parallel_loop3A_357] {strides = array<i32>} : memref<200x128xf32, #tpu.memory_space<vmem>>, vector<16xf32>,
        tpu.vector_store %arg10[%parallel_loop3A_356, %parallel_loop3A_357], %parallel_loop3A_355 {add = true, strides = array<i32>} : memref<200x128xf32, #tpu.memory_space<vmem>>, vector<16xf32>,
        %parallel_loop3A_359 = arith.index_cast %parallel_loop3A_346 : i32 to index
        %parallel_loop3A_360 = arith.constant 32 : index
        %parallel_loop3A_361 = tpu.vector_load %arg14[%parallel_loop3A_359, %parallel_loop3A_360] {strides = array<i32>} : memref<200x128xf32, #tpu.memory_space<vmem>>, vector<16xf32>,
        %parallel_loop3A_362 = arith.index_cast %parallel_loop3A_346 : i32 to index
        %parallel_loop3A_363 = arith.constant 32 : index
        %parallel_loop3A_364 = tpu.vector_load %arg10[%parallel_loop3A_362, %parallel_loop3A_363] {strides = array<i32>} : memref<200x128xf32, #tpu.memory_space<vmem>>, vector<16xf32>,
        tpu.vector_store %arg10[%parallel_loop3A_362, %parallel_loop3A_363], %parallel_loop3A_361 {add = true, strides = array<i32>} : memref<200x128xf32, #tpu.memory_space<vmem>>, vector<16xf32>,
        %parallel_loop3A_365 = arith.index_cast %parallel_loop3A_346 : i32 to index
        %parallel_loop3A_366 = arith.constant 48 : index
        %parallel_loop3A_367 = tpu.vector_load %arg14[%parallel_loop3A_365, %parallel_loop3A_366] {strides = array<i32>} : memref<200x128xf32, #tpu.memory_space<vmem>>, vector<16xf32>,
        %parallel_loop3A_368 = arith.index_cast %parallel_loop3A_346 : i32 to index
        %parallel_loop3A_369 = arith.constant 48 : index
        %parallel_loop3A_370 = tpu.vector_load %arg10[%parallel_loop3A_368, %parallel_loop3A_369] {strides = array<i32>} : memref<200x128xf32, #tpu.memory_space<vmem>>, vector<16xf32>,
        tpu.vector_store %arg10[%parallel_loop3A_368, %parallel_loop3A_369], %parallel_loop3A_367 {add = true, strides = array<i32>} : memref<200x128xf32, #tpu.memory_space<vmem>>, vector<16xf32>,
      } {sc.loop_unroll_factor = 8 : i64, sc.parallel_access}
      %mul3A_177 = arith.constant 200 : i32
      %mul3A_178 = arith.muli %add3A_167, %mul3A_177 : i32
      %add3A_179 = arith.addi %mul3A_4, %mul3A_178 : i32
      %multiple_of3A_180 = tpu.assume_multiple %add3A_179, 8 : i32
      %dma_start3A_181 = arith.constant 0 : i32
      %dma_start3A_182 = tpu.memref_slice %arg5[%multiple_of3A_180, %dma_start3A_181] : memref<204800x128xf32, #tpu.memory_space<hbm>> -> memref<200x128xf32, #tpu.memory_space<hbm>>
      %dma_start3A_183 = arith.constant 0 : i32
      %dma_start3A_184 = tpu.memref_slice %arg5[%multiple_of3A_180, %dma_start3A_183] : memref<204800x128xf32, #tpu.memory_space<hbm>> -> memref<200x128xf32, #tpu.memory_space<hbm>>
      tpu.enqueue_dma source(%arg10 : memref<200x128xf32, #tpu.memory_space<vmem>>) target(%dma_start3A_184 : memref<200x128xf32, #tpu.memory_space<hbm>>) target_semaphore(%arg19 : memref<!tpu.dma_semaphore, #tpu.memory_space<semaphore_mem>>)
      %dma_wait3A_185 = arith.constant 0 : i32
      %dma_wait3A_186 = tpu.memref_slice %arg5[%multiple_of3A_180, %dma_wait3A_185] : memref<204800x128xf32, #tpu.memory_space<hbm>> -> memref<200x128xf32, #tpu.memory_space<hbm>>
      %dma_wait3A_187 = arith.constant 0 : i32
      %dma_wait3A_188 = tpu.memref_slice %arg5[%multiple_of3A_180, %dma_wait3A_187] : memref<204800x128xf32, #tpu.memory_space<hbm>> -> memref<200x128xf32, #tpu.memory_space<hbm>>
      tpu.wait_dma2 semaphore(%arg19 : memref<!tpu.dma_semaphore, #tpu.memory_space<semaphore_mem>>) src(%arg10 : memref<200x128xf32, #tpu.memory_space<vmem>>) dst(%dma_wait3A_188 : memref<200x128xf32, #tpu.memory_space<hbm>>)
      %add3A_189 = arith.constant 4 : i32
      %add3A_190 = arith.addi %add3A_167, %add3A_189 : i32
      %mul3A_191 = arith.constant 200 : i32
      %mul3A_192 = arith.muli %add3A_190, %mul3A_191 : i32
      %add3A_193 = arith.addi %mul3A_4, %mul3A_192 : i32
      %multiple_of3A_194 = tpu.assume_multiple %add3A_193, 8 : i32
      "tpu.region"() ({
        %run_scoped3A = tpu.sem_alloc : memref<!tpu.dma_semaphore, #tpu.memory_space<semaphore_mem>>
        %dma_start3A_346 = tpu.memref_slice %arg2[%multiple_of3A_194] : memref<204800xi32, #tpu.memory_space<hbm>> -> memref<200xi32, #tpu.memory_space<hbm>>
        %dma_start3A_347 = tpu.memref_slice %arg2[%multiple_of3A_194] : memref<204800xi32, #tpu.memory_space<hbm>> -> memref<200xi32, #tpu.memory_space<hbm>>
        tpu.enqueue_dma source(%dma_start3A_347 : memref<200xi32, #tpu.memory_space<hbm>>) target(%arg6 : memref<200xi32, #tpu.memory_space<vmem>>) target_semaphore(%run_scoped3A : memref<!tpu.dma_semaphore, #tpu.memory_space<semaphore_mem>>)
        %dma_wait3A_348 = tpu.memref_slice %arg2[%multiple_of3A_194] : memref<204800xi32, #tpu.memory_space<hbm>> -> memref<200xi32, #tpu.memory_space<hbm>>
        %dma_wait3A_349 = tpu.memref_slice %arg2[%multiple_of3A_194] : memref<204800xi32, #tpu.memory_space<hbm>> -> memref<200xi32, #tpu.memory_space<hbm>>
        tpu.wait_dma2 semaphore(%run_scoped3A : memref<!tpu.dma_semaphore, #tpu.memory_space<semaphore_mem>>) src(%dma_wait3A_349 : memref<200xi32, #tpu.memory_space<hbm>>) dst(%arg6 : memref<200xi32, #tpu.memory_space<vmem>>)
        tpu.yield
      }) : () -> ()
      %dma_start3A_195 = arith.constant 0 : i32
      %dma_start3A_196 = arith.constant 0 : i32
      %dma_start3A_197 = tpu.memref_slice %arg10[%dma_start3A_195, %dma_start3A_196] : memref<200x128xf32, #tpu.memory_space<vmem>> -> memref<128x128xf32, #tpu.memory_space<vmem>>
      %dma_start3A_198 = arith.constant 0 : i32
      %dma_start3A_199 = tpu.memref_slice %arg6[%dma_start3A_198] : memref<200xi32, #tpu.memory_space<vmem>> -> memref<128xi32, #tpu.memory_space<vmem>>
      %dma_start3A_200 = arith.constant 0 : i32
      %dma_start3A_201 = arith.constant 0 : i32
      %dma_start3A_202 = tpu.memref_slice %arg3[%dma_start3A_200, %dma_start3A_201] : memref<1000000x128xf32, #tpu.memory_space<hbm>> -> memref<1000000x128xf32, #tpu.memory_space<hbm>>
      tpu.enqueue_indirect_dma source(%dma_start3A_202 : memref<1000000x128xf32, #tpu.memory_space<hbm>>) target(%dma_start3A_197 : memref<128x128xf32, #tpu.memory_space<vmem>>) offsets(%dma_start3A_199 : memref<128xi32, #tpu.memory_space<vmem>>) semaphore(%arg15 : memref<!tpu.dma_semaphore, #tpu.memory_space<semaphore_mem>>)
      %dma_start3A_203 = arith.constant 128 : i32
      %dma_start3A_204 = arith.constant 0 : i32
      %dma_start3A_205 = tpu.memref_slice %arg10[%dma_start3A_203, %dma_start3A_204] : memref<200x128xf32, #tpu.memory_space<vmem>> -> memref<72x128xf32, #tpu.memory_space<vmem>>
      %dma_start3A_206 = arith.constant 128 : i32
      %dma_start3A_207 = tpu.memref_slice %arg6[%dma_start3A_206] : memref<200xi32, #tpu.memory_space<vmem>> -> memref<72xi32, #tpu.memory_space<vmem>>
      %dma_start3A_208 = arith.constant 0 : i32
      %dma_start3A_209 = arith.constant 0 : i32
      %dma_start3A_210 = tpu.memref_slice %arg3[%dma_start3A_208, %dma_start3A_209] : memref<1000000x128xf32, #tpu.memory_space<hbm>> -> memref<1000000x128xf32, #tpu.memory_space<hbm>>
      tpu.enqueue_indirect_dma source(%dma_start3A_210 : memref<1000000x128xf32, #tpu.memory_space<hbm>>) target(%dma_start3A_205 : memref<72x128xf32, #tpu.memory_space<vmem>>) offsets(%dma_start3A_207 : memref<72xi32, #tpu.memory_space<vmem>>) semaphore(%arg15 : memref<!tpu.dma_semaphore, #tpu.memory_space<semaphore_mem>>)
      %add3A_211 = arith.constant 1 : i32
      %add3A_212 = arith.addi %add3A_165, %add3A_211 : i32
      %dma_wait3A_213 = arith.constant 0 : i32
      %dma_wait3A_214 = arith.constant 0 : i32
      %dma_wait3A_215 = tpu.memref_slice %arg3[%dma_wait3A_213, %dma_wait3A_214] : memref<1000000x128xf32, #tpu.memory_space<hbm>> -> memref<200x128xf32, #tpu.memory_space<hbm>>
      %dma_wait3A_216 = arith.constant 0 : i32
      %dma_wait3A_217 = arith.constant 0 : i32
      %dma_wait3A_218 = tpu.memref_slice %arg3[%dma_wait3A_216, %dma_wait3A_217] : memref<1000000x128xf32, #tpu.memory_space<hbm>> -> memref<200x128xf32, #tpu.memory_space<hbm>>
      tpu.wait_dma2 semaphore(%arg16 : memref<!tpu.dma_semaphore, #tpu.memory_space<semaphore_mem>>) src(%dma_wait3A_218 : memref<200x128xf32, #tpu.memory_space<hbm>>) dst(%arg11 : memref<200x128xf32, #tpu.memory_space<vmem>>)
      %parallel_loop3A_219 = arith.constant 0 : i32
      %parallel_loop3A_220 = arith.constant 200 : i32
      %parallel_loop3A_221 = arith.constant 1 : i32
      scf.for %parallel_loop3A_346 = %parallel_loop3A_219 to %parallel_loop3A_220 step %parallel_loop3A_221  : i32 {
        %parallel_loop3A_347 = arith.index_cast %parallel_loop3A_346 : i32 to index
        %parallel_loop3A_348 = arith.constant 0 : index
        %parallel_loop3A_349 = tpu.vector_load %arg14[%parallel_loop3A_347, %parallel_loop3A_348] {strides = array<i32>} : memref<200x128xf32, #tpu.memory_space<vmem>>, vector<16xf32>,
        %parallel_loop3A_350 = arith.index_cast %parallel_loop3A_346 : i32 to index
        %parallel_loop3A_351 = arith.constant 0 : index
        %parallel_loop3A_352 = tpu.vector_load %arg11[%parallel_loop3A_350, %parallel_loop3A_351] {strides = array<i32>} : memref<200x128xf32, #tpu.memory_space<vmem>>, vector<16xf32>,
        tpu.vector_store %arg11[%parallel_loop3A_350, %parallel_loop3A_351], %parallel_loop3A_349 {add = true, strides = array<i32>} : memref<200x128xf32, #tpu.memory_space<vmem>>, vector<16xf32>,
        %parallel_loop3A_353 = arith.index_cast %parallel_loop3A_346 : i32 to index
        %parallel_loop3A_354 = arith.constant 16 : index
        %parallel_loop3A_355 = tpu.vector_load %arg14[%parallel_loop3A_353, %parallel_loop3A_354] {strides = array<i32>} : memref<200x128xf32, #tpu.memory_space<vmem>>, vector<16xf32>,
        %parallel_loop3A_356 = arith.index_cast %parallel_loop3A_346 : i32 to index
        %parallel_loop3A_357 = arith.constant 16 : index
        %parallel_loop3A_358 = tpu.vector_load %arg11[%parallel_loop3A_356, %parallel_loop3A_357] {strides = array<i32>} : memref<200x128xf32, #tpu.memory_space<vmem>>, vector<16xf32>,
        tpu.vector_store %arg11[%parallel_loop3A_356, %parallel_loop3A_357], %parallel_loop3A_355 {add = true, strides = array<i32>} : memref<200x128xf32, #tpu.memory_space<vmem>>, vector<16xf32>,
        %parallel_loop3A_359 = arith.index_cast %parallel_loop3A_346 : i32 to index
        %parallel_loop3A_360 = arith.constant 32 : index
        %parallel_loop3A_361 = tpu.vector_load %arg14[%parallel_loop3A_359, %parallel_loop3A_360] {strides = array<i32>} : memref<200x128xf32, #tpu.memory_space<vmem>>, vector<16xf32>,
        %parallel_loop3A_362 = arith.index_cast %parallel_loop3A_346 : i32 to index
        %parallel_loop3A_363 = arith.constant 32 : index
        %parallel_loop3A_364 = tpu.vector_load %arg11[%parallel_loop3A_362, %parallel_loop3A_363] {strides = array<i32>} : memref<200x128xf32, #tpu.memory_space<vmem>>, vector<16xf32>,
        tpu.vector_store %arg11[%parallel_loop3A_362, %parallel_loop3A_363], %parallel_loop3A_361 {add = true, strides = array<i32>} : memref<200x128xf32, #tpu.memory_space<vmem>>, vector<16xf32>,
        %parallel_loop3A_365 = arith.index_cast %parallel_loop3A_346 : i32 to index
        %parallel_loop3A_366 = arith.constant 48 : index
        %parallel_loop3A_367 = tpu.vector_load %arg14[%parallel_loop3A_365, %parallel_loop3A_366] {strides = array<i32>} : memref<200x128xf32, #tpu.memory_space<vmem>>, vector<16xf32>,
        %parallel_loop3A_368 = arith.index_cast %parallel_loop3A_346 : i32 to index
        %parallel_loop3A_369 = arith.constant 48 : index
        %parallel_loop3A_370 = tpu.vector_load %arg11[%parallel_loop3A_368, %parallel_loop3A_369] {strides = array<i32>} : memref<200x128xf32, #tpu.memory_space<vmem>>, vector<16xf32>,
        tpu.vector_store %arg11[%parallel_loop3A_368, %parallel_loop3A_369], %parallel_loop3A_367 {add = true, strides = array<i32>} : memref<200x128xf32, #tpu.memory_space<vmem>>, vector<16xf32>,
      } {sc.loop_unroll_factor = 8 : i64, sc.parallel_access}
      %mul3A_222 = arith.constant 200 : i32
      %mul3A_223 = arith.muli %add3A_212, %mul3A_222 : i32
      %add3A_224 = arith.addi %mul3A_4, %mul3A_223 : i32
      %multiple_of3A_225 = tpu.assume_multiple %add3A_224, 8 : i32
      %dma_start3A_226 = arith.constant 0 : i32
      %dma_start3A_227 = tpu.memref_slice %arg5[%multiple_of3A_225, %dma_start3A_226] : memref<204800x128xf32, #tpu.memory_space<hbm>> -> memref<200x128xf32, #tpu.memory_space<hbm>>
      %dma_start3A_228 = arith.constant 0 : i32
      %dma_start3A_229 = tpu.memref_slice %arg5[%multiple_of3A_225, %dma_start3A_228] : memref<204800x128xf32, #tpu.memory_space<hbm>> -> memref<200x128xf32, #tpu.memory_space<hbm>>
      tpu.enqueue_dma source(%arg11 : memref<200x128xf32, #tpu.memory_space<vmem>>) target(%dma_start3A_229 : memref<200x128xf32, #tpu.memory_space<hbm>>) target_semaphore(%arg20 : memref<!tpu.dma_semaphore, #tpu.memory_space<semaphore_mem>>)
      %dma_wait3A_230 = arith.constant 0 : i32
      %dma_wait3A_231 = tpu.memref_slice %arg5[%multiple_of3A_225, %dma_wait3A_230] : memref<204800x128xf32, #tpu.memory_space<hbm>> -> memref<200x128xf32, #tpu.memory_space<hbm>>
      %dma_wait3A_232 = arith.constant 0 : i32
      %dma_wait3A_233 = tpu.memref_slice %arg5[%multiple_of3A_225, %dma_wait3A_232] : memref<204800x128xf32, #tpu.memory_space<hbm>> -> memref<200x128xf32, #tpu.memory_space<hbm>>
      tpu.wait_dma2 semaphore(%arg20 : memref<!tpu.dma_semaphore, #tpu.memory_space<semaphore_mem>>) src(%arg11 : memref<200x128xf32, #tpu.memory_space<vmem>>) dst(%dma_wait3A_233 : memref<200x128xf32, #tpu.memory_space<hbm>>)
      %add3A_234 = arith.constant 4 : i32
      %add3A_235 = arith.addi %add3A_212, %add3A_234 : i32
      %mul3A_236 = arith.constant 200 : i32
      %mul3A_237 = arith.muli %add3A_235, %mul3A_236 : i32
      %add3A_238 = arith.addi %mul3A_4, %mul3A_237 : i32
      %multiple_of3A_239 = tpu.assume_multiple %add3A_238, 8 : i32
      "tpu.region"() ({
        %run_scoped3A = tpu.sem_alloc : memref<!tpu.dma_semaphore, #tpu.memory_space<semaphore_mem>>
        %dma_start3A_346 = tpu.memref_slice %arg2[%multiple_of3A_239] : memref<204800xi32, #tpu.memory_space<hbm>> -> memref<200xi32, #tpu.memory_space<hbm>>
        %dma_start3A_347 = tpu.memref_slice %arg2[%multiple_of3A_239] : memref<204800xi32, #tpu.memory_space<hbm>> -> memref<200xi32, #tpu.memory_space<hbm>>
        tpu.enqueue_dma source(%dma_start3A_347 : memref<200xi32, #tpu.memory_space<hbm>>) target(%arg7 : memref<200xi32, #tpu.memory_space<vmem>>) target_semaphore(%run_scoped3A : memref<!tpu.dma_semaphore, #tpu.memory_space<semaphore_mem>>)
        %dma_wait3A_348 = tpu.memref_slice %arg2[%multiple_of3A_239] : memref<204800xi32, #tpu.memory_space<hbm>> -> memref<200xi32, #tpu.memory_space<hbm>>
        %dma_wait3A_349 = tpu.memref_slice %arg2[%multiple_of3A_239] : memref<204800xi32, #tpu.memory_space<hbm>> -> memref<200xi32, #tpu.memory_space<hbm>>
        tpu.wait_dma2 semaphore(%run_scoped3A : memref<!tpu.dma_semaphore, #tpu.memory_space<semaphore_mem>>) src(%dma_wait3A_349 : memref<200xi32, #tpu.memory_space<hbm>>) dst(%arg7 : memref<200xi32, #tpu.memory_space<vmem>>)
        tpu.yield
      }) : () -> ()
      %dma_start3A_240 = arith.constant 0 : i32
      %dma_start3A_241 = arith.constant 0 : i32
      %dma_start3A_242 = tpu.memref_slice %arg11[%dma_start3A_240, %dma_start3A_241] : memref<200x128xf32, #tpu.memory_space<vmem>> -> memref<128x128xf32, #tpu.memory_space<vmem>>
      %dma_start3A_243 = arith.constant 0 : i32
      %dma_start3A_244 = tpu.memref_slice %arg7[%dma_start3A_243] : memref<200xi32, #tpu.memory_space<vmem>> -> memref<128xi32, #tpu.memory_space<vmem>>
      %dma_start3A_245 = arith.constant 0 : i32
      %dma_start3A_246 = arith.constant 0 : i32
      %dma_start3A_247 = tpu.memref_slice %arg3[%dma_start3A_245, %dma_start3A_246] : memref<1000000x128xf32, #tpu.memory_space<hbm>> -> memref<1000000x128xf32, #tpu.memory_space<hbm>>
      tpu.enqueue_indirect_dma source(%dma_start3A_247 : memref<1000000x128xf32, #tpu.memory_space<hbm>>) target(%dma_start3A_242 : memref<128x128xf32, #tpu.memory_space<vmem>>) offsets(%dma_start3A_244 : memref<128xi32, #tpu.memory_space<vmem>>) semaphore(%arg16 : memref<!tpu.dma_semaphore, #tpu.memory_space<semaphore_mem>>)
      %dma_start3A_248 = arith.constant 128 : i32
      %dma_start3A_249 = arith.constant 0 : i32
      %dma_start3A_250 = tpu.memref_slice %arg11[%dma_start3A_248, %dma_start3A_249] : memref<200x128xf32, #tpu.memory_space<vmem>> -> memref<72x128xf32, #tpu.memory_space<vmem>>
      %dma_start3A_251 = arith.constant 128 : i32
      %dma_start3A_252 = tpu.memref_slice %arg7[%dma_start3A_251] : memref<200xi32, #tpu.memory_space<vmem>> -> memref<72xi32, #tpu.memory_space<vmem>>
      %dma_start3A_253 = arith.constant 0 : i32
      %dma_start3A_254 = arith.constant 0 : i32
      %dma_start3A_255 = tpu.memref_slice %arg3[%dma_start3A_253, %dma_start3A_254] : memref<1000000x128xf32, #tpu.memory_space<hbm>> -> memref<1000000x128xf32, #tpu.memory_space<hbm>>
      tpu.enqueue_indirect_dma source(%dma_start3A_255 : memref<1000000x128xf32, #tpu.memory_space<hbm>>) target(%dma_start3A_250 : memref<72x128xf32, #tpu.memory_space<vmem>>) offsets(%dma_start3A_252 : memref<72xi32, #tpu.memory_space<vmem>>) semaphore(%arg16 : memref<!tpu.dma_semaphore, #tpu.memory_space<semaphore_mem>>)
      %add3A_256 = arith.constant 2 : i32
      %add3A_257 = arith.addi %add3A_165, %add3A_256 : i32
      %dma_wait3A_258 = arith.constant 0 : i32
      %dma_wait3A_259 = arith.constant 0 : i32
      %dma_wait3A_260 = tpu.memref_slice %arg3[%dma_wait3A_258, %dma_wait3A_259] : memref<1000000x128xf32, #tpu.memory_space<hbm>> -> memref<200x128xf32, #tpu.memory_space<hbm>>
      %dma_wait3A_261 = arith.constant 0 : i32
      %dma_wait3A_262 = arith.constant 0 : i32
      %dma_wait3A_263 = tpu.memref_slice %arg3[%dma_wait3A_261, %dma_wait3A_262] : memref<1000000x128xf32, #tpu.memory_space<hbm>> -> memref<200x128xf32, #tpu.memory_space<hbm>>
      tpu.wait_dma2 semaphore(%arg17 : memref<!tpu.dma_semaphore, #tpu.memory_space<semaphore_mem>>) src(%dma_wait3A_263 : memref<200x128xf32, #tpu.memory_space<hbm>>) dst(%arg12 : memref<200x128xf32, #tpu.memory_space<vmem>>)
      %parallel_loop3A_264 = arith.constant 0 : i32
      %parallel_loop3A_265 = arith.constant 200 : i32
      %parallel_loop3A_266 = arith.constant 1 : i32
      scf.for %parallel_loop3A_346 = %parallel_loop3A_264 to %parallel_loop3A_265 step %parallel_loop3A_266  : i32 {
        %parallel_loop3A_347 = arith.index_cast %parallel_loop3A_346 : i32 to index
        %parallel_loop3A_348 = arith.constant 0 : index
        %parallel_loop3A_349 = tpu.vector_load %arg14[%parallel_loop3A_347, %parallel_loop3A_348] {strides = array<i32>} : memref<200x128xf32, #tpu.memory_space<vmem>>, vector<16xf32>,
        %parallel_loop3A_350 = arith.index_cast %parallel_loop3A_346 : i32 to index
        %parallel_loop3A_351 = arith.constant 0 : index
        %parallel_loop3A_352 = tpu.vector_load %arg12[%parallel_loop3A_350, %parallel_loop3A_351] {strides = array<i32>} : memref<200x128xf32, #tpu.memory_space<vmem>>, vector<16xf32>,
        tpu.vector_store %arg12[%parallel_loop3A_350, %parallel_loop3A_351], %parallel_loop3A_349 {add = true, strides = array<i32>} : memref<200x128xf32, #tpu.memory_space<vmem>>, vector<16xf32>,
        %parallel_loop3A_353 = arith.index_cast %parallel_loop3A_346 : i32 to index
        %parallel_loop3A_354 = arith.constant 16 : index
        %parallel_loop3A_355 = tpu.vector_load %arg14[%parallel_loop3A_353, %parallel_loop3A_354] {strides = array<i32>} : memref<200x128xf32, #tpu.memory_space<vmem>>, vector<16xf32>,
        %parallel_loop3A_356 = arith.index_cast %parallel_loop3A_346 : i32 to index
        %parallel_loop3A_357 = arith.constant 16 : index
        %parallel_loop3A_358 = tpu.vector_load %arg12[%parallel_loop3A_356, %parallel_loop3A_357] {strides = array<i32>} : memref<200x128xf32, #tpu.memory_space<vmem>>, vector<16xf32>,
        tpu.vector_store %arg12[%parallel_loop3A_356, %parallel_loop3A_357], %parallel_loop3A_355 {add = true, strides = array<i32>} : memref<200x128xf32, #tpu.memory_space<vmem>>, vector<16xf32>,
        %parallel_loop3A_359 = arith.index_cast %parallel_loop3A_346 : i32 to index
        %parallel_loop3A_360 = arith.constant 32 : index
        %parallel_loop3A_361 = tpu.vector_load %arg14[%parallel_loop3A_359, %parallel_loop3A_360] {strides = array<i32>} : memref<200x128xf32, #tpu.memory_space<vmem>>, vector<16xf32>,
        %parallel_loop3A_362 = arith.index_cast %parallel_loop3A_346 : i32 to index
        %parallel_loop3A_363 = arith.constant 32 : index
        %parallel_loop3A_364 = tpu.vector_load %arg12[%parallel_loop3A_362, %parallel_loop3A_363] {strides = array<i32>} : memref<200x128xf32, #tpu.memory_space<vmem>>, vector<16xf32>,
        tpu.vector_store %arg12[%parallel_loop3A_362, %parallel_loop3A_363], %parallel_loop3A_361 {add = true, strides = array<i32>} : memref<200x128xf32, #tpu.memory_space<vmem>>, vector<16xf32>,
        %parallel_loop3A_365 = arith.index_cast %parallel_loop3A_346 : i32 to index
        %parallel_loop3A_366 = arith.constant 48 : index
        %parallel_loop3A_367 = tpu.vector_load %arg14[%parallel_loop3A_365, %parallel_loop3A_366] {strides = array<i32>} : memref<200x128xf32, #tpu.memory_space<vmem>>, vector<16xf32>,
        %parallel_loop3A_368 = arith.index_cast %parallel_loop3A_346 : i32 to index
        %parallel_loop3A_369 = arith.constant 48 : index
        %parallel_loop3A_370 = tpu.vector_load %arg12[%parallel_loop3A_368, %parallel_loop3A_369] {strides = array<i32>} : memref<200x128xf32, #tpu.memory_space<vmem>>, vector<16xf32>,
        tpu.vector_store %arg12[%parallel_loop3A_368, %parallel_loop3A_369], %parallel_loop3A_367 {add = true, strides = array<i32>} : memref<200x128xf32, #tpu.memory_space<vmem>>, vector<16xf32>,
      } {sc.loop_unroll_factor = 8 : i64, sc.parallel_access}
      %mul3A_267 = arith.constant 200 : i32
      %mul3A_268 = arith.muli %add3A_257, %mul3A_267 : i32
      %add3A_269 = arith.addi %mul3A_4, %mul3A_268 : i32
      %multiple_of3A_270 = tpu.assume_multiple %add3A_269, 8 : i32
      %dma_start3A_271 = arith.constant 0 : i32
      %dma_start3A_272 = tpu.memref_slice %arg5[%multiple_of3A_270, %dma_start3A_271] : memref<204800x128xf32, #tpu.memory_space<hbm>> -> memref<200x128xf32, #tpu.memory_space<hbm>>
      %dma_start3A_273 = arith.constant 0 : i32
      %dma_start3A_274 = tpu.memref_slice %arg5[%multiple_of3A_270, %dma_start3A_273] : memref<204800x128xf32, #tpu.memory_space<hbm>> -> memref<200x128xf32, #tpu.memory_space<hbm>>
      tpu.enqueue_dma source(%arg12 : memref<200x128xf32, #tpu.memory_space<vmem>>) target(%dma_start3A_274 : memref<200x128xf32, #tpu.memory_space<hbm>>) target_semaphore(%arg21 : memref<!tpu.dma_semaphore, #tpu.memory_space<semaphore_mem>>)
      %dma_wait3A_275 = arith.constant 0 : i32
      %dma_wait3A_276 = tpu.memref_slice %arg5[%multiple_of3A_270, %dma_wait3A_275] : memref<204800x128xf32, #tpu.memory_space<hbm>> -> memref<200x128xf32, #tpu.memory_space<hbm>>
      %dma_wait3A_277 = arith.constant 0 : i32
      %dma_wait3A_278 = tpu.memref_slice %arg5[%multiple_of3A_270, %dma_wait3A_277] : memref<204800x128xf32, #tpu.memory_space<hbm>> -> memref<200x128xf32, #tpu.memory_space<hbm>>
      tpu.wait_dma2 semaphore(%arg21 : memref<!tpu.dma_semaphore, #tpu.memory_space<semaphore_mem>>) src(%arg12 : memref<200x128xf32, #tpu.memory_space<vmem>>) dst(%dma_wait3A_278 : memref<200x128xf32, #tpu.memory_space<hbm>>)
      %add3A_279 = arith.constant 4 : i32
      %add3A_280 = arith.addi %add3A_257, %add3A_279 : i32
      %mul3A_281 = arith.constant 200 : i32
      %mul3A_282 = arith.muli %add3A_280, %mul3A_281 : i32
      %add3A_283 = arith.addi %mul3A_4, %mul3A_282 : i32
      %multiple_of3A_284 = tpu.assume_multiple %add3A_283, 8 : i32
      "tpu.region"() ({
        %run_scoped3A = tpu.sem_alloc : memref<!tpu.dma_semaphore, #tpu.memory_space<semaphore_mem>>
        %dma_start3A_346 = tpu.memref_slice %arg2[%multiple_of3A_284] : memref<204800xi32, #tpu.memory_space<hbm>> -> memref<200xi32, #tpu.memory_space<hbm>>
        %dma_start3A_347 = tpu.memref_slice %arg2[%multiple_of3A_284] : memref<204800xi32, #tpu.memory_space<hbm>> -> memref<200xi32, #tpu.memory_space<hbm>>
        tpu.enqueue_dma source(%dma_start3A_347 : memref<200xi32, #tpu.memory_space<hbm>>) target(%arg8 : memref<200xi32, #tpu.memory_space<vmem>>) target_semaphore(%run_scoped3A : memref<!tpu.dma_semaphore, #tpu.memory_space<semaphore_mem>>)
        %dma_wait3A_348 = tpu.memref_slice %arg2[%multiple_of3A_284] : memref<204800xi32, #tpu.memory_space<hbm>> -> memref<200xi32, #tpu.memory_space<hbm>>
        %dma_wait3A_349 = tpu.memref_slice %arg2[%multiple_of3A_284] : memref<204800xi32, #tpu.memory_space<hbm>> -> memref<200xi32, #tpu.memory_space<hbm>>
        tpu.wait_dma2 semaphore(%run_scoped3A : memref<!tpu.dma_semaphore, #tpu.memory_space<semaphore_mem>>) src(%dma_wait3A_349 : memref<200xi32, #tpu.memory_space<hbm>>) dst(%arg8 : memref<200xi32, #tpu.memory_space<vmem>>)
        tpu.yield
      }) : () -> ()
      %dma_start3A_285 = arith.constant 0 : i32
      %dma_start3A_286 = arith.constant 0 : i32
      %dma_start3A_287 = tpu.memref_slice %arg12[%dma_start3A_285, %dma_start3A_286] : memref<200x128xf32, #tpu.memory_space<vmem>> -> memref<128x128xf32, #tpu.memory_space<vmem>>
      %dma_start3A_288 = arith.constant 0 : i32
      %dma_start3A_289 = tpu.memref_slice %arg8[%dma_start3A_288] : memref<200xi32, #tpu.memory_space<vmem>> -> memref<128xi32, #tpu.memory_space<vmem>>
      %dma_start3A_290 = arith.constant 0 : i32
      %dma_start3A_291 = arith.constant 0 : i32
      %dma_start3A_292 = tpu.memref_slice %arg3[%dma_start3A_290, %dma_start3A_291] : memref<1000000x128xf32, #tpu.memory_space<hbm>> -> memref<1000000x128xf32, #tpu.memory_space<hbm>>
      tpu.enqueue_indirect_dma source(%dma_start3A_292 : memref<1000000x128xf32, #tpu.memory_space<hbm>>) target(%dma_start3A_287 : memref<128x128xf32, #tpu.memory_space<vmem>>) offsets(%dma_start3A_289 : memref<128xi32, #tpu.memory_space<vmem>>) semaphore(%arg17 : memref<!tpu.dma_semaphore, #tpu.memory_space<semaphore_mem>>)
      %dma_start3A_293 = arith.constant 128 : i32
      %dma_start3A_294 = arith.constant 0 : i32
      %dma_start3A_295 = tpu.memref_slice %arg12[%dma_start3A_293, %dma_start3A_294] : memref<200x128xf32, #tpu.memory_space<vmem>> -> memref<72x128xf32, #tpu.memory_space<vmem>>
      %dma_start3A_296 = arith.constant 128 : i32
      %dma_start3A_297 = tpu.memref_slice %arg8[%dma_start3A_296] : memref<200xi32, #tpu.memory_space<vmem>> -> memref<72xi32, #tpu.memory_space<vmem>>
      %dma_start3A_298 = arith.constant 0 : i32
      %dma_start3A_299 = arith.constant 0 : i32
      %dma_start3A_300 = tpu.memref_slice %arg3[%dma_start3A_298, %dma_start3A_299] : memref<1000000x128xf32, #tpu.memory_space<hbm>> -> memref<1000000x128xf32, #tpu.memory_space<hbm>>
      tpu.enqueue_indirect_dma source(%dma_start3A_300 : memref<1000000x128xf32, #tpu.memory_space<hbm>>) target(%dma_start3A_295 : memref<72x128xf32, #tpu.memory_space<vmem>>) offsets(%dma_start3A_297 : memref<72xi32, #tpu.memory_space<vmem>>) semaphore(%arg17 : memref<!tpu.dma_semaphore, #tpu.memory_space<semaphore_mem>>)
      %add3A_301 = arith.constant 3 : i32
      %add3A_302 = arith.addi %add3A_165, %add3A_301 : i32
      %dma_wait3A_303 = arith.constant 0 : i32
      %dma_wait3A_304 = arith.constant 0 : i32
      %dma_wait3A_305 = tpu.memref_slice %arg3[%dma_wait3A_303, %dma_wait3A_304] : memref<1000000x128xf32, #tpu.memory_space<hbm>> -> memref<200x128xf32, #tpu.memory_space<hbm>>
      %dma_wait3A_306 = arith.constant 0 : i32
      %dma_wait3A_307 = arith.constant 0 : i32
      %dma_wait3A_308 = tpu.memref_slice %arg3[%dma_wait3A_306, %dma_wait3A_307] : memref<1000000x128xf32, #tpu.memory_space<hbm>> -> memref<200x128xf32, #tpu.memory_space<hbm>>
      tpu.wait_dma2 semaphore(%arg18 : memref<!tpu.dma_semaphore, #tpu.memory_space<semaphore_mem>>) src(%dma_wait3A_308 : memref<200x128xf32, #tpu.memory_space<hbm>>) dst(%arg13 : memref<200x128xf32, #tpu.memory_space<vmem>>)
      %parallel_loop3A_309 = arith.constant 0 : i32
      %parallel_loop3A_310 = arith.constant 200 : i32
      %parallel_loop3A_311 = arith.constant 1 : i32
      scf.for %parallel_loop3A_346 = %parallel_loop3A_309 to %parallel_loop3A_310 step %parallel_loop3A_311  : i32 {
        %parallel_loop3A_347 = arith.index_cast %parallel_loop3A_346 : i32 to index
        %parallel_loop3A_348 = arith.constant 0 : index
        %parallel_loop3A_349 = tpu.vector_load %arg14[%parallel_loop3A_347, %parallel_loop3A_348] {strides = array<i32>} : memref<200x128xf32, #tpu.memory_space<vmem>>, vector<16xf32>,
        %parallel_loop3A_350 = arith.index_cast %parallel_loop3A_346 : i32 to index
        %parallel_loop3A_351 = arith.constant 0 : index
        %parallel_loop3A_352 = tpu.vector_load %arg13[%parallel_loop3A_350, %parallel_loop3A_351] {strides = array<i32>} : memref<200x128xf32, #tpu.memory_space<vmem>>, vector<16xf32>,
        tpu.vector_store %arg13[%parallel_loop3A_350, %parallel_loop3A_351], %parallel_loop3A_349 {add = true, strides = array<i32>} : memref<200x128xf32, #tpu.memory_space<vmem>>, vector<16xf32>,
        %parallel_loop3A_353 = arith.index_cast %parallel_loop3A_346 : i32 to index
        %parallel_loop3A_354 = arith.constant 16 : index
        %parallel_loop3A_355 = tpu.vector_load %arg14[%parallel_loop3A_353, %parallel_loop3A_354] {strides = array<i32>} : memref<200x128xf32, #tpu.memory_space<vmem>>, vector<16xf32>,
        %parallel_loop3A_356 = arith.index_cast %parallel_loop3A_346 : i32 to index
        %parallel_loop3A_357 = arith.constant 16 : index
        %parallel_loop3A_358 = tpu.vector_load %arg13[%parallel_loop3A_356, %parallel_loop3A_357] {strides = array<i32>} : memref<200x128xf32, #tpu.memory_space<vmem>>, vector<16xf32>,
        tpu.vector_store %arg13[%parallel_loop3A_356, %parallel_loop3A_357], %parallel_loop3A_355 {add = true, strides = array<i32>} : memref<200x128xf32, #tpu.memory_space<vmem>>, vector<16xf32>,
        %parallel_loop3A_359 = arith.index_cast %parallel_loop3A_346 : i32 to index
        %parallel_loop3A_360 = arith.constant 32 : index
        %parallel_loop3A_361 = tpu.vector_load %arg14[%parallel_loop3A_359, %parallel_loop3A_360] {strides = array<i32>} : memref<200x128xf32, #tpu.memory_space<vmem>>, vector<16xf32>,
        %parallel_loop3A_362 = arith.index_cast %parallel_loop3A_346 : i32 to index
        %parallel_loop3A_363 = arith.constant 32 : index
        %parallel_loop3A_364 = tpu.vector_load %arg13[%parallel_loop3A_362, %parallel_loop3A_363] {strides = array<i32>} : memref<200x128xf32, #tpu.memory_space<vmem>>, vector<16xf32>,
        tpu.vector_store %arg13[%parallel_loop3A_362, %parallel_loop3A_363], %parallel_loop3A_361 {add = true, strides = array<i32>} : memref<200x128xf32, #tpu.memory_space<vmem>>, vector<16xf32>,
        %parallel_loop3A_365 = arith.index_cast %parallel_loop3A_346 : i32 to index
        %parallel_loop3A_366 = arith.constant 48 : index
        %parallel_loop3A_367 = tpu.vector_load %arg14[%parallel_loop3A_365, %parallel_loop3A_366] {strides = array<i32>} : memref<200x128xf32, #tpu.memory_space<vmem>>, vector<16xf32>,
        %parallel_loop3A_368 = arith.index_cast %parallel_loop3A_346 : i32 to index
        %parallel_loop3A_369 = arith.constant 48 : index
        %parallel_loop3A_370 = tpu.vector_load %arg13[%parallel_loop3A_368, %parallel_loop3A_369] {strides = array<i32>} : memref<200x128xf32, #tpu.memory_space<vmem>>, vector<16xf32>,
        tpu.vector_store %arg13[%parallel_loop3A_368, %parallel_loop3A_369], %parallel_loop3A_367 {add = true, strides = array<i32>} : memref<200x128xf32, #tpu.memory_space<vmem>>, vector<16xf32>,
      } {sc.loop_unroll_factor = 8 : i64, sc.parallel_access}
      %mul3A_312 = arith.constant 200 : i32
      %mul3A_313 = arith.muli %add3A_302, %mul3A_312 : i32
      %add3A_314 = arith.addi %mul3A_4, %mul3A_313 : i32
      %multiple_of3A_315 = tpu.assume_multiple %add3A_314, 8 : i32
      %dma_start3A_316 = arith.constant 0 : i32
      %dma_start3A_317 = tpu.memref_slice %arg5[%multiple_of3A_315, %dma_start3A_316] : memref<204800x128xf32, #tpu.memory_space<hbm>> -> memref<200x128xf32, #tpu.memory_space<hbm>>
      %dma_start3A_318 = arith.constant 0 : i32
      %dma_start3A_319 = tpu.memref_slice %arg5[%multiple_of3A_315, %dma_start3A_318] : memref<204800x128xf32, #tpu.memory_space<hbm>> -> memref<200x128xf32, #tpu.memory_space<hbm>>
      tpu.enqueue_dma source(%arg13 : memref<200x128xf32, #tpu.memory_space<vmem>>) target(%dma_start3A_319 : memref<200x128xf32, #tpu.memory_space<hbm>>) target_semaphore(%arg22 : memref<!tpu.dma_semaphore, #tpu.memory_space<semaphore_mem>>)
      %dma_wait3A_320 = arith.constant 0 : i32
      %dma_wait3A_321 = tpu.memref_slice %arg5[%multiple_of3A_315, %dma_wait3A_320] : memref<204800x128xf32, #tpu.memory_space<hbm>> -> memref<200x128xf32, #tpu.memory_space<hbm>>
      %dma_wait3A_322 = arith.constant 0 : i32
      %dma_wait3A_323 = tpu.memref_slice %arg5[%multiple_of3A_315, %dma_wait3A_322] : memref<204800x128xf32, #tpu.memory_space<hbm>> -> memref<200x128xf32, #tpu.memory_space<hbm>>
      tpu.wait_dma2 semaphore(%arg22 : memref<!tpu.dma_semaphore, #tpu.memory_space<semaphore_mem>>) src(%arg13 : memref<200x128xf32, #tpu.memory_space<vmem>>) dst(%dma_wait3A_323 : memref<200x128xf32, #tpu.memory_space<hbm>>)
      %add3A_324 = arith.constant 4 : i32
      %add3A_325 = arith.addi %add3A_302, %add3A_324 : i32
      %mul3A_326 = arith.constant 200 : i32
      %mul3A_327 = arith.muli %add3A_325, %mul3A_326 : i32
      %add3A_328 = arith.addi %mul3A_4, %mul3A_327 : i32
      %multiple_of3A_329 = tpu.assume_multiple %add3A_328, 8 : i32
      "tpu.region"() ({
        %run_scoped3A = tpu.sem_alloc : memref<!tpu.dma_semaphore, #tpu.memory_space<semaphore_mem>>
        %dma_start3A_346 = tpu.memref_slice %arg2[%multiple_of3A_329] : memref<204800xi32, #tpu.memory_space<hbm>> -> memref<200xi32, #tpu.memory_space<hbm>>
        %dma_start3A_347 = tpu.memref_slice %arg2[%multiple_of3A_329] : memref<204800xi32, #tpu.memory_space<hbm>> -> memref<200xi32, #tpu.memory_space<hbm>>
        tpu.enqueue_dma source(%dma_start3A_347 : memref<200xi32, #tpu.memory_space<hbm>>) target(%arg9 : memref<200xi32, #tpu.memory_space<vmem>>) target_semaphore(%run_scoped3A : memref<!tpu.dma_semaphore, #tpu.memory_space<semaphore_mem>>)
        %dma_wait3A_348 = tpu.memref_slice %arg2[%multiple_of3A_329] : memref<204800xi32, #tpu.memory_space<hbm>> -> memref<200xi32, #tpu.memory_space<hbm>>
        %dma_wait3A_349 = tpu.memref_slice %arg2[%multiple_of3A_329] : memref<204800xi32, #tpu.memory_space<hbm>> -> memref<200xi32, #tpu.memory_space<hbm>>
        tpu.wait_dma2 semaphore(%run_scoped3A : memref<!tpu.dma_semaphore, #tpu.memory_space<semaphore_mem>>) src(%dma_wait3A_349 : memref<200xi32, #tpu.memory_space<hbm>>) dst(%arg9 : memref<200xi32, #tpu.memory_space<vmem>>)
        tpu.yield
      }) : () -> ()
      %dma_start3A_330 = arith.constant 0 : i32
      %dma_start3A_331 = arith.constant 0 : i32
      %dma_start3A_332 = tpu.memref_slice %arg13[%dma_start3A_330, %dma_start3A_331] : memref<200x128xf32, #tpu.memory_space<vmem>> -> memref<128x128xf32, #tpu.memory_space<vmem>>
      %dma_start3A_333 = arith.constant 0 : i32
      %dma_start3A_334 = tpu.memref_slice %arg9[%dma_start3A_333] : memref<200xi32, #tpu.memory_space<vmem>> -> memref<128xi32, #tpu.memory_space<vmem>>
      %dma_start3A_335 = arith.constant 0 : i32
      %dma_start3A_336 = arith.constant 0 : i32
      %dma_start3A_337 = tpu.memref_slice %arg3[%dma_start3A_335, %dma_start3A_336] : memref<1000000x128xf32, #tpu.memory_space<hbm>> -> memref<1000000x128xf32, #tpu.memory_space<hbm>>
      tpu.enqueue_indirect_dma source(%dma_start3A_337 : memref<1000000x128xf32, #tpu.memory_space<hbm>>) target(%dma_start3A_332 : memref<128x128xf32, #tpu.memory_space<vmem>>) offsets(%dma_start3A_334 : memref<128xi32, #tpu.memory_space<vmem>>) semaphore(%arg18 : memref<!tpu.dma_semaphore, #tpu.memory_space<semaphore_mem>>)
      %dma_start3A_338 = arith.constant 128 : i32
      %dma_start3A_339 = arith.constant 0 : i32
      %dma_start3A_340 = tpu.memref_slice %arg13[%dma_start3A_338, %dma_start3A_339] : memref<200x128xf32, #tpu.memory_space<vmem>> -> memref<72x128xf32, #tpu.memory_space<vmem>>
      %dma_start3A_341 = arith.constant 128 : i32
      %dma_start3A_342 = tpu.memref_slice %arg9[%dma_start3A_341] : memref<200xi32, #tpu.memory_space<vmem>> -> memref<72xi32, #tpu.memory_space<vmem>>
      %dma_start3A_343 = arith.constant 0 : i32
      %dma_start3A_344 = arith.constant 0 : i32
      %dma_start3A_345 = tpu.memref_slice %arg3[%dma_start3A_343, %dma_start3A_344] : memref<1000000x128xf32, #tpu.memory_space<hbm>> -> memref<1000000x128xf32, #tpu.memory_space<hbm>>
      tpu.enqueue_indirect_dma source(%dma_start3A_345 : memref<1000000x128xf32, #tpu.memory_space<hbm>>) target(%dma_start3A_340 : memref<72x128xf32, #tpu.memory_space<vmem>>) offsets(%dma_start3A_342 : memref<72xi32, #tpu.memory_space<vmem>>) semaphore(%arg18 : memref<!tpu.dma_semaphore, #tpu.memory_space<semaphore_mem>>)
    }
    %scan3A_82 = arith.constant 7 : i32
    %dma_wait3A = arith.constant 0 : i32
    %dma_wait3A_83 = arith.constant 0 : i32
    %dma_wait3A_84 = tpu.memref_slice %arg3[%dma_wait3A, %dma_wait3A_83] : memref<1000000x128xf32, #tpu.memory_space<hbm>> -> memref<200x128xf32, #tpu.memory_space<hbm>>
    %dma_wait3A_85 = arith.constant 0 : i32
    %dma_wait3A_86 = arith.constant 0 : i32
    %dma_wait3A_87 = tpu.memref_slice %arg3[%dma_wait3A_85, %dma_wait3A_86] : memref<1000000x128xf32, #tpu.memory_space<hbm>> -> memref<200x128xf32, #tpu.memory_space<hbm>>
    tpu.wait_dma2 semaphore(%arg15 : memref<!tpu.dma_semaphore, #tpu.memory_space<semaphore_mem>>) src(%dma_wait3A_87 : memref<200x128xf32, #tpu.memory_space<hbm>>) dst(%arg10 : memref<200x128xf32, #tpu.memory_space<vmem>>)
    %parallel_loop3A = arith.constant 0 : i32
    %parallel_loop3A_88 = arith.constant 200 : i32
    %parallel_loop3A_89 = arith.constant 1 : i32
    scf.for %parallel_loop3A_161 = %parallel_loop3A to %parallel_loop3A_88 step %parallel_loop3A_89  : i32 {
      %parallel_loop3A_162 = arith.index_cast %parallel_loop3A_161 : i32 to index
      %parallel_loop3A_163 = arith.constant 0 : index
      %parallel_loop3A_164 = tpu.vector_load %arg14[%parallel_loop3A_162, %parallel_loop3A_163] {strides = array<i32>} : memref<200x128xf32, #tpu.memory_space<vmem>>, vector<16xf32>,
      %parallel_loop3A_165 = arith.index_cast %parallel_loop3A_161 : i32 to index
      %parallel_loop3A_166 = arith.constant 0 : index
      %parallel_loop3A_167 = tpu.vector_load %arg10[%parallel_loop3A_165, %parallel_loop3A_166] {strides = array<i32>} : memref<200x128xf32, #tpu.memory_space<vmem>>, vector<16xf32>,
      tpu.vector_store %arg10[%parallel_loop3A_165, %parallel_loop3A_166], %parallel_loop3A_164 {add = true, strides = array<i32>} : memref<200x128xf32, #tpu.memory_space<vmem>>, vector<16xf32>,
      %parallel_loop3A_168 = arith.index_cast %parallel_loop3A_161 : i32 to index
      %parallel_loop3A_169 = arith.constant 16 : index
      %parallel_loop3A_170 = tpu.vector_load %arg14[%parallel_loop3A_168, %parallel_loop3A_169] {strides = array<i32>} : memref<200x128xf32, #tpu.memory_space<vmem>>, vector<16xf32>,
      %parallel_loop3A_171 = arith.index_cast %parallel_loop3A_161 : i32 to index
      %parallel_loop3A_172 = arith.constant 16 : index
      %parallel_loop3A_173 = tpu.vector_load %arg10[%parallel_loop3A_171, %parallel_loop3A_172] {strides = array<i32>} : memref<200x128xf32, #tpu.memory_space<vmem>>, vector<16xf32>,
      tpu.vector_store %arg10[%parallel_loop3A_171, %parallel_loop3A_172], %parallel_loop3A_170 {add = true, strides = array<i32>} : memref<200x128xf32, #tpu.memory_space<vmem>>, vector<16xf32>,
      %parallel_loop3A_174 = arith.index_cast %parallel_loop3A_161 : i32 to index
      %parallel_loop3A_175 = arith.constant 32 : index
      %parallel_loop3A_176 = tpu.vector_load %arg14[%parallel_loop3A_174, %parallel_loop3A_175] {strides = array<i32>} : memref<200x128xf32, #tpu.memory_space<vmem>>, vector<16xf32>,
      %parallel_loop3A_177 = arith.index_cast %parallel_loop3A_161 : i32 to index
      %parallel_loop3A_178 = arith.constant 32 : index
      %parallel_loop3A_179 = tpu.vector_load %arg10[%parallel_loop3A_177, %parallel_loop3A_178] {strides = array<i32>} : memref<200x128xf32, #tpu.memory_space<vmem>>, vector<16xf32>,
      tpu.vector_store %arg10[%parallel_loop3A_177, %parallel_loop3A_178], %parallel_loop3A_176 {add = true, strides = array<i32>} : memref<200x128xf32, #tpu.memory_space<vmem>>, vector<16xf32>,
      %parallel_loop3A_180 = arith.index_cast %parallel_loop3A_161 : i32 to index
      %parallel_loop3A_181 = arith.constant 48 : index
      %parallel_loop3A_182 = tpu.vector_load %arg14[%parallel_loop3A_180, %parallel_loop3A_181] {strides = array<i32>} : memref<200x128xf32, #tpu.memory_space<vmem>>, vector<16xf32>,
      %parallel_loop3A_183 = arith.index_cast %parallel_loop3A_161 : i32 to index
      %parallel_loop3A_184 = arith.constant 48 : index
      %parallel_loop3A_185 = tpu.vector_load %arg10[%parallel_loop3A_183, %parallel_loop3A_184] {strides = array<i32>} : memref<200x128xf32, #tpu.memory_space<vmem>>, vector<16xf32>,
      tpu.vector_store %arg10[%parallel_loop3A_183, %parallel_loop3A_184], %parallel_loop3A_182 {add = true, strides = array<i32>} : memref<200x128xf32, #tpu.memory_space<vmem>>, vector<16xf32>,
    } {sc.loop_unroll_factor = 8 : i64, sc.parallel_access}
    %add3A_90 = arith.constant 5600 : i32
    %add3A_91 = arith.addi %mul3A_4, %add3A_90 : i32
    %multiple_of3A_92 = tpu.assume_multiple %add3A_91, 8 : i32
    %dma_start3A_93 = arith.constant 0 : i32
    %dma_start3A_94 = tpu.memref_slice %arg5[%multiple_of3A_92, %dma_start3A_93] : memref<204800x128xf32, #tpu.memory_space<hbm>> -> memref<200x128xf32, #tpu.memory_space<hbm>>
    %dma_start3A_95 = arith.constant 0 : i32
    %dma_start3A_96 = tpu.memref_slice %arg5[%multiple_of3A_92, %dma_start3A_95] : memref<204800x128xf32, #tpu.memory_space<hbm>> -> memref<200x128xf32, #tpu.memory_space<hbm>>
    tpu.enqueue_dma source(%arg10 : memref<200x128xf32, #tpu.memory_space<vmem>>) target(%dma_start3A_96 : memref<200x128xf32, #tpu.memory_space<hbm>>) target_semaphore(%arg19 : memref<!tpu.dma_semaphore, #tpu.memory_space<semaphore_mem>>)
    %dma_wait3A_97 = arith.constant 0 : i32
    %dma_wait3A_98 = arith.constant 0 : i32
    %dma_wait3A_99 = tpu.memref_slice %arg3[%dma_wait3A_97, %dma_wait3A_98] : memref<1000000x128xf32, #tpu.memory_space<hbm>> -> memref<200x128xf32, #tpu.memory_space<hbm>>
    %dma_wait3A_100 = arith.constant 0 : i32
    %dma_wait3A_101 = arith.constant 0 : i32
    %dma_wait3A_102 = tpu.memref_slice %arg3[%dma_wait3A_100, %dma_wait3A_101] : memref<1000000x128xf32, #tpu.memory_space<hbm>> -> memref<200x128xf32, #tpu.memory_space<hbm>>
    tpu.wait_dma2 semaphore(%arg16 : memref<!tpu.dma_semaphore, #tpu.memory_space<semaphore_mem>>) src(%dma_wait3A_102 : memref<200x128xf32, #tpu.memory_space<hbm>>) dst(%arg11 : memref<200x128xf32, #tpu.memory_space<vmem>>)
    %parallel_loop3A_103 = arith.constant 0 : i32
    %parallel_loop3A_104 = arith.constant 200 : i32
    %parallel_loop3A_105 = arith.constant 1 : i32
    scf.for %parallel_loop3A_161 = %parallel_loop3A_103 to %parallel_loop3A_104 step %parallel_loop3A_105  : i32 {
      %parallel_loop3A_162 = arith.index_cast %parallel_loop3A_161 : i32 to index
      %parallel_loop3A_163 = arith.constant 0 : index
      %parallel_loop3A_164 = tpu.vector_load %arg14[%parallel_loop3A_162, %parallel_loop3A_163] {strides = array<i32>} : memref<200x128xf32, #tpu.memory_space<vmem>>, vector<16xf32>,
      %parallel_loop3A_165 = arith.index_cast %parallel_loop3A_161 : i32 to index
      %parallel_loop3A_166 = arith.constant 0 : index
      %parallel_loop3A_167 = tpu.vector_load %arg11[%parallel_loop3A_165, %parallel_loop3A_166] {strides = array<i32>} : memref<200x128xf32, #tpu.memory_space<vmem>>, vector<16xf32>,
      tpu.vector_store %arg11[%parallel_loop3A_165, %parallel_loop3A_166], %parallel_loop3A_164 {add = true, strides = array<i32>} : memref<200x128xf32, #tpu.memory_space<vmem>>, vector<16xf32>,
      %parallel_loop3A_168 = arith.index_cast %parallel_loop3A_161 : i32 to index
      %parallel_loop3A_169 = arith.constant 16 : index
      %parallel_loop3A_170 = tpu.vector_load %arg14[%parallel_loop3A_168, %parallel_loop3A_169] {strides = array<i32>} : memref<200x128xf32, #tpu.memory_space<vmem>>, vector<16xf32>,
      %parallel_loop3A_171 = arith.index_cast %parallel_loop3A_161 : i32 to index
      %parallel_loop3A_172 = arith.constant 16 : index
      %parallel_loop3A_173 = tpu.vector_load %arg11[%parallel_loop3A_171, %parallel_loop3A_172] {strides = array<i32>} : memref<200x128xf32, #tpu.memory_space<vmem>>, vector<16xf32>,
      tpu.vector_store %arg11[%parallel_loop3A_171, %parallel_loop3A_172], %parallel_loop3A_170 {add = true, strides = array<i32>} : memref<200x128xf32, #tpu.memory_space<vmem>>, vector<16xf32>,
      %parallel_loop3A_174 = arith.index_cast %parallel_loop3A_161 : i32 to index
      %parallel_loop3A_175 = arith.constant 32 : index
      %parallel_loop3A_176 = tpu.vector_load %arg14[%parallel_loop3A_174, %parallel_loop3A_175] {strides = array<i32>} : memref<200x128xf32, #tpu.memory_space<vmem>>, vector<16xf32>,
      %parallel_loop3A_177 = arith.index_cast %parallel_loop3A_161 : i32 to index
      %parallel_loop3A_178 = arith.constant 32 : index
      %parallel_loop3A_179 = tpu.vector_load %arg11[%parallel_loop3A_177, %parallel_loop3A_178] {strides = array<i32>} : memref<200x128xf32, #tpu.memory_space<vmem>>, vector<16xf32>,
      tpu.vector_store %arg11[%parallel_loop3A_177, %parallel_loop3A_178], %parallel_loop3A_176 {add = true, strides = array<i32>} : memref<200x128xf32, #tpu.memory_space<vmem>>, vector<16xf32>,
      %parallel_loop3A_180 = arith.index_cast %parallel_loop3A_161 : i32 to index
      %parallel_loop3A_181 = arith.constant 48 : index
      %parallel_loop3A_182 = tpu.vector_load %arg14[%parallel_loop3A_180, %parallel_loop3A_181] {strides = array<i32>} : memref<200x128xf32, #tpu.memory_space<vmem>>, vector<16xf32>,
      %parallel_loop3A_183 = arith.index_cast %parallel_loop3A_161 : i32 to index
      %parallel_loop3A_184 = arith.constant 48 : index
      %parallel_loop3A_185 = tpu.vector_load %arg11[%parallel_loop3A_183, %parallel_loop3A_184] {strides = array<i32>} : memref<200x128xf32, #tpu.memory_space<vmem>>, vector<16xf32>,
      tpu.vector_store %arg11[%parallel_loop3A_183, %parallel_loop3A_184], %parallel_loop3A_182 {add = true, strides = array<i32>} : memref<200x128xf32, #tpu.memory_space<vmem>>, vector<16xf32>,
    } {sc.loop_unroll_factor = 8 : i64, sc.parallel_access}
    %add3A_106 = arith.constant 5800 : i32
    %add3A_107 = arith.addi %mul3A_4, %add3A_106 : i32
    %multiple_of3A_108 = tpu.assume_multiple %add3A_107, 8 : i32
    %dma_start3A_109 = arith.constant 0 : i32
    %dma_start3A_110 = tpu.memref_slice %arg5[%multiple_of3A_108, %dma_start3A_109] : memref<204800x128xf32, #tpu.memory_space<hbm>> -> memref<200x128xf32, #tpu.memory_space<hbm>>
    %dma_start3A_111 = arith.constant 0 : i32
    %dma_start3A_112 = tpu.memref_slice %arg5[%multiple_of3A_108, %dma_start3A_111] : memref<204800x128xf32, #tpu.memory_space<hbm>> -> memref<200x128xf32, #tpu.memory_space<hbm>>
    tpu.enqueue_dma source(%arg11 : memref<200x128xf32, #tpu.memory_space<vmem>>) target(%dma_start3A_112 : memref<200x128xf32, #tpu.memory_space<hbm>>) target_semaphore(%arg20 : memref<!tpu.dma_semaphore, #tpu.memory_space<semaphore_mem>>)
    %dma_wait3A_113 = arith.constant 0 : i32
    %dma_wait3A_114 = arith.constant 0 : i32
    %dma_wait3A_115 = tpu.memref_slice %arg3[%dma_wait3A_113, %dma_wait3A_114] : memref<1000000x128xf32, #tpu.memory_space<hbm>> -> memref<200x128xf32, #tpu.memory_space<hbm>>
    %dma_wait3A_116 = arith.constant 0 : i32
    %dma_wait3A_117 = arith.constant 0 : i32
    %dma_wait3A_118 = tpu.memref_slice %arg3[%dma_wait3A_116, %dma_wait3A_117] : memref<1000000x128xf32, #tpu.memory_space<hbm>> -> memref<200x128xf32, #tpu.memory_space<hbm>>
    tpu.wait_dma2 semaphore(%arg17 : memref<!tpu.dma_semaphore, #tpu.memory_space<semaphore_mem>>) src(%dma_wait3A_118 : memref<200x128xf32, #tpu.memory_space<hbm>>) dst(%arg12 : memref<200x128xf32, #tpu.memory_space<vmem>>)
    %parallel_loop3A_119 = arith.constant 0 : i32
    %parallel_loop3A_120 = arith.constant 200 : i32
    %parallel_loop3A_121 = arith.constant 1 : i32
    scf.for %parallel_loop3A_161 = %parallel_loop3A_119 to %parallel_loop3A_120 step %parallel_loop3A_121  : i32 {
      %parallel_loop3A_162 = arith.index_cast %parallel_loop3A_161 : i32 to index
      %parallel_loop3A_163 = arith.constant 0 : index
      %parallel_loop3A_164 = tpu.vector_load %arg14[%parallel_loop3A_162, %parallel_loop3A_163] {strides = array<i32>} : memref<200x128xf32, #tpu.memory_space<vmem>>, vector<16xf32>,
      %parallel_loop3A_165 = arith.index_cast %parallel_loop3A_161 : i32 to index
      %parallel_loop3A_166 = arith.constant 0 : index
      %parallel_loop3A_167 = tpu.vector_load %arg12[%parallel_loop3A_165, %parallel_loop3A_166] {strides = array<i32>} : memref<200x128xf32, #tpu.memory_space<vmem>>, vector<16xf32>,
      tpu.vector_store %arg12[%parallel_loop3A_165, %parallel_loop3A_166], %parallel_loop3A_164 {add = true, strides = array<i32>} : memref<200x128xf32, #tpu.memory_space<vmem>>, vector<16xf32>,
      %parallel_loop3A_168 = arith.index_cast %parallel_loop3A_161 : i32 to index
      %parallel_loop3A_169 = arith.constant 16 : index
      %parallel_loop3A_170 = tpu.vector_load %arg14[%parallel_loop3A_168, %parallel_loop3A_169] {strides = array<i32>} : memref<200x128xf32, #tpu.memory_space<vmem>>, vector<16xf32>,
      %parallel_loop3A_171 = arith.index_cast %parallel_loop3A_161 : i32 to index
      %parallel_loop3A_172 = arith.constant 16 : index
      %parallel_loop3A_173 = tpu.vector_load %arg12[%parallel_loop3A_171, %parallel_loop3A_172] {strides = array<i32>} : memref<200x128xf32, #tpu.memory_space<vmem>>, vector<16xf32>,
      tpu.vector_store %arg12[%parallel_loop3A_171, %parallel_loop3A_172], %parallel_loop3A_170 {add = true, strides = array<i32>} : memref<200x128xf32, #tpu.memory_space<vmem>>, vector<16xf32>,
      %parallel_loop3A_174 = arith.index_cast %parallel_loop3A_161 : i32 to index
      %parallel_loop3A_175 = arith.constant 32 : index
      %parallel_loop3A_176 = tpu.vector_load %arg14[%parallel_loop3A_174, %parallel_loop3A_175] {strides = array<i32>} : memref<200x128xf32, #tpu.memory_space<vmem>>, vector<16xf32>,
      %parallel_loop3A_177 = arith.index_cast %parallel_loop3A_161 : i32 to index
      %parallel_loop3A_178 = arith.constant 32 : index
      %parallel_loop3A_179 = tpu.vector_load %arg12[%parallel_loop3A_177, %parallel_loop3A_178] {strides = array<i32>} : memref<200x128xf32, #tpu.memory_space<vmem>>, vector<16xf32>,
      tpu.vector_store %arg12[%parallel_loop3A_177, %parallel_loop3A_178], %parallel_loop3A_176 {add = true, strides = array<i32>} : memref<200x128xf32, #tpu.memory_space<vmem>>, vector<16xf32>,
      %parallel_loop3A_180 = arith.index_cast %parallel_loop3A_161 : i32 to index
      %parallel_loop3A_181 = arith.constant 48 : index
      %parallel_loop3A_182 = tpu.vector_load %arg14[%parallel_loop3A_180, %parallel_loop3A_181] {strides = array<i32>} : memref<200x128xf32, #tpu.memory_space<vmem>>, vector<16xf32>,
      %parallel_loop3A_183 = arith.index_cast %parallel_loop3A_161 : i32 to index
      %parallel_loop3A_184 = arith.constant 48 : index
      %parallel_loop3A_185 = tpu.vector_load %arg12[%parallel_loop3A_183, %parallel_loop3A_184] {strides = array<i32>} : memref<200x128xf32, #tpu.memory_space<vmem>>, vector<16xf32>,
      tpu.vector_store %arg12[%parallel_loop3A_183, %parallel_loop3A_184], %parallel_loop3A_182 {add = true, strides = array<i32>} : memref<200x128xf32, #tpu.memory_space<vmem>>, vector<16xf32>,
    } {sc.loop_unroll_factor = 8 : i64, sc.parallel_access}
    %add3A_122 = arith.constant 6000 : i32
    %add3A_123 = arith.addi %mul3A_4, %add3A_122 : i32
    %multiple_of3A_124 = tpu.assume_multiple %add3A_123, 8 : i32
    %dma_start3A_125 = arith.constant 0 : i32
    %dma_start3A_126 = tpu.memref_slice %arg5[%multiple_of3A_124, %dma_start3A_125] : memref<204800x128xf32, #tpu.memory_space<hbm>> -> memref<200x128xf32, #tpu.memory_space<hbm>>
    %dma_start3A_127 = arith.constant 0 : i32
    %dma_start3A_128 = tpu.memref_slice %arg5[%multiple_of3A_124, %dma_start3A_127] : memref<204800x128xf32, #tpu.memory_space<hbm>> -> memref<200x128xf32, #tpu.memory_space<hbm>>
    tpu.enqueue_dma source(%arg12 : memref<200x128xf32, #tpu.memory_space<vmem>>) target(%dma_start3A_128 : memref<200x128xf32, #tpu.memory_space<hbm>>) target_semaphore(%arg21 : memref<!tpu.dma_semaphore, #tpu.memory_space<semaphore_mem>>)
    %dma_wait3A_129 = arith.constant 0 : i32
    %dma_wait3A_130 = arith.constant 0 : i32
    %dma_wait3A_131 = tpu.memref_slice %arg3[%dma_wait3A_129, %dma_wait3A_130] : memref<1000000x128xf32, #tpu.memory_space<hbm>> -> memref<200x128xf32, #tpu.memory_space<hbm>>
    %dma_wait3A_132 = arith.constant 0 : i32
    %dma_wait3A_133 = arith.constant 0 : i32
    %dma_wait3A_134 = tpu.memref_slice %arg3[%dma_wait3A_132, %dma_wait3A_133] : memref<1000000x128xf32, #tpu.memory_space<hbm>> -> memref<200x128xf32, #tpu.memory_space<hbm>>
    tpu.wait_dma2 semaphore(%arg18 : memref<!tpu.dma_semaphore, #tpu.memory_space<semaphore_mem>>) src(%dma_wait3A_134 : memref<200x128xf32, #tpu.memory_space<hbm>>) dst(%arg13 : memref<200x128xf32, #tpu.memory_space<vmem>>)
    %parallel_loop3A_135 = arith.constant 0 : i32
    %parallel_loop3A_136 = arith.constant 200 : i32
    %parallel_loop3A_137 = arith.constant 1 : i32
    scf.for %parallel_loop3A_161 = %parallel_loop3A_135 to %parallel_loop3A_136 step %parallel_loop3A_137  : i32 {
      %parallel_loop3A_162 = arith.index_cast %parallel_loop3A_161 : i32 to index
      %parallel_loop3A_163 = arith.constant 0 : index
      %parallel_loop3A_164 = tpu.vector_load %arg14[%parallel_loop3A_162, %parallel_loop3A_163] {strides = array<i32>} : memref<200x128xf32, #tpu.memory_space<vmem>>, vector<16xf32>,
      %parallel_loop3A_165 = arith.index_cast %parallel_loop3A_161 : i32 to index
      %parallel_loop3A_166 = arith.constant 0 : index
      %parallel_loop3A_167 = tpu.vector_load %arg13[%parallel_loop3A_165, %parallel_loop3A_166] {strides = array<i32>} : memref<200x128xf32, #tpu.memory_space<vmem>>, vector<16xf32>,
      tpu.vector_store %arg13[%parallel_loop3A_165, %parallel_loop3A_166], %parallel_loop3A_164 {add = true, strides = array<i32>} : memref<200x128xf32, #tpu.memory_space<vmem>>, vector<16xf32>,
      %parallel_loop3A_168 = arith.index_cast %parallel_loop3A_161 : i32 to index
      %parallel_loop3A_169 = arith.constant 16 : index
      %parallel_loop3A_170 = tpu.vector_load %arg14[%parallel_loop3A_168, %parallel_loop3A_169] {strides = array<i32>} : memref<200x128xf32, #tpu.memory_space<vmem>>, vector<16xf32>,
      %parallel_loop3A_171 = arith.index_cast %parallel_loop3A_161 : i32 to index
      %parallel_loop3A_172 = arith.constant 16 : index
      %parallel_loop3A_173 = tpu.vector_load %arg13[%parallel_loop3A_171, %parallel_loop3A_172] {strides = array<i32>} : memref<200x128xf32, #tpu.memory_space<vmem>>, vector<16xf32>,
      tpu.vector_store %arg13[%parallel_loop3A_171, %parallel_loop3A_172], %parallel_loop3A_170 {add = true, strides = array<i32>} : memref<200x128xf32, #tpu.memory_space<vmem>>, vector<16xf32>,
      %parallel_loop3A_174 = arith.index_cast %parallel_loop3A_161 : i32 to index
      %parallel_loop3A_175 = arith.constant 32 : index
      %parallel_loop3A_176 = tpu.vector_load %arg14[%parallel_loop3A_174, %parallel_loop3A_175] {strides = array<i32>} : memref<200x128xf32, #tpu.memory_space<vmem>>, vector<16xf32>,
      %parallel_loop3A_177 = arith.index_cast %parallel_loop3A_161 : i32 to index
      %parallel_loop3A_178 = arith.constant 32 : index
      %parallel_loop3A_179 = tpu.vector_load %arg13[%parallel_loop3A_177, %parallel_loop3A_178] {strides = array<i32>} : memref<200x128xf32, #tpu.memory_space<vmem>>, vector<16xf32>,
      tpu.vector_store %arg13[%parallel_loop3A_177, %parallel_loop3A_178], %parallel_loop3A_176 {add = true, strides = array<i32>} : memref<200x128xf32, #tpu.memory_space<vmem>>, vector<16xf32>,
      %parallel_loop3A_180 = arith.index_cast %parallel_loop3A_161 : i32 to index
      %parallel_loop3A_181 = arith.constant 48 : index
      %parallel_loop3A_182 = tpu.vector_load %arg14[%parallel_loop3A_180, %parallel_loop3A_181] {strides = array<i32>} : memref<200x128xf32, #tpu.memory_space<vmem>>, vector<16xf32>,
      %parallel_loop3A_183 = arith.index_cast %parallel_loop3A_161 : i32 to index
      %parallel_loop3A_184 = arith.constant 48 : index
      %parallel_loop3A_185 = tpu.vector_load %arg13[%parallel_loop3A_183, %parallel_loop3A_184] {strides = array<i32>} : memref<200x128xf32, #tpu.memory_space<vmem>>, vector<16xf32>,
      tpu.vector_store %arg13[%parallel_loop3A_183, %parallel_loop3A_184], %parallel_loop3A_182 {add = true, strides = array<i32>} : memref<200x128xf32, #tpu.memory_space<vmem>>, vector<16xf32>,
    } {sc.loop_unroll_factor = 8 : i64, sc.parallel_access}
    %add3A_138 = arith.constant 6200 : i32
    %add3A_139 = arith.addi %mul3A_4, %add3A_138 : i32
    %multiple_of3A_140 = tpu.assume_multiple %add3A_139, 8 : i32
    %dma_start3A_141 = arith.constant 0 : i32
    %dma_start3A_142 = tpu.memref_slice %arg5[%multiple_of3A_140, %dma_start3A_141] : memref<204800x128xf32, #tpu.memory_space<hbm>> -> memref<200x128xf32, #tpu.memory_space<hbm>>
    %dma_start3A_143 = arith.constant 0 : i32
    %dma_start3A_144 = tpu.memref_slice %arg5[%multiple_of3A_140, %dma_start3A_143] : memref<204800x128xf32, #tpu.memory_space<hbm>> -> memref<200x128xf32, #tpu.memory_space<hbm>>
    tpu.enqueue_dma source(%arg13 : memref<200x128xf32, #tpu.memory_space<vmem>>) target(%dma_start3A_144 : memref<200x128xf32, #tpu.memory_space<hbm>>) target_semaphore(%arg22 : memref<!tpu.dma_semaphore, #tpu.memory_space<semaphore_mem>>)
    %dma_wait3A_145 = arith.constant 0 : i32
    %dma_wait3A_146 = tpu.memref_slice %arg5[%multiple_of3A_92, %dma_wait3A_145] : memref<204800x128xf32, #tpu.memory_space<hbm>> -> memref<200x128xf32, #tpu.memory_space<hbm>>
    %dma_wait3A_147 = arith.constant 0 : i32
    %dma_wait3A_148 = tpu.memref_slice %arg5[%multiple_of3A_92, %dma_wait3A_147] : memref<204800x128xf32, #tpu.memory_space<hbm>> -> memref<200x128xf32, #tpu.memory_space<hbm>>
    tpu.wait_dma2 semaphore(%arg19 : memref<!tpu.dma_semaphore, #tpu.memory_space<semaphore_mem>>) src(%arg10 : memref<200x128xf32, #tpu.memory_space<vmem>>) dst(%dma_wait3A_148 : memref<200x128xf32, #tpu.memory_space<hbm>>)
    %dma_wait3A_149 = arith.constant 0 : i32
    %dma_wait3A_150 = tpu.memref_slice %arg5[%multiple_of3A_108, %dma_wait3A_149] : memref<204800x128xf32, #tpu.memory_space<hbm>> -> memref<200x128xf32, #tpu.memory_space<hbm>>
    %dma_wait3A_151 = arith.constant 0 : i32
    %dma_wait3A_152 = tpu.memref_slice %arg5[%multiple_of3A_108, %dma_wait3A_151] : memref<204800x128xf32, #tpu.memory_space<hbm>> -> memref<200x128xf32, #tpu.memory_space<hbm>>
    tpu.wait_dma2 semaphore(%arg20 : memref<!tpu.dma_semaphore, #tpu.memory_space<semaphore_mem>>) src(%arg11 : memref<200x128xf32, #tpu.memory_space<vmem>>) dst(%dma_wait3A_152 : memref<200x128xf32, #tpu.memory_space<hbm>>)
    %dma_wait3A_153 = arith.constant 0 : i32
    %dma_wait3A_154 = tpu.memref_slice %arg5[%multiple_of3A_124, %dma_wait3A_153] : memref<204800x128xf32, #tpu.memory_space<hbm>> -> memref<200x128xf32, #tpu.memory_space<hbm>>
    %dma_wait3A_155 = arith.constant 0 : i32
    %dma_wait3A_156 = tpu.memref_slice %arg5[%multiple_of3A_124, %dma_wait3A_155] : memref<204800x128xf32, #tpu.memory_space<hbm>> -> memref<200x128xf32, #tpu.memory_space<hbm>>
    tpu.wait_dma2 semaphore(%arg21 : memref<!tpu.dma_semaphore, #tpu.memory_space<semaphore_mem>>) src(%arg12 : memref<200x128xf32, #tpu.memory_space<vmem>>) dst(%dma_wait3A_156 : memref<200x128xf32, #tpu.memory_space<hbm>>)
    %dma_wait3A_157 = arith.constant 0 : i32
    %dma_wait3A_158 = tpu.memref_slice %arg5[%multiple_of3A_140, %dma_wait3A_157] : memref<204800x128xf32, #tpu.memory_space<hbm>> -> memref<200x128xf32, #tpu.memory_space<hbm>>
    %dma_wait3A_159 = arith.constant 0 : i32
    %dma_wait3A_160 = tpu.memref_slice %arg5[%multiple_of3A_140, %dma_wait3A_159] : memref<204800x128xf32, #tpu.memory_space<hbm>> -> memref<200x128xf32, #tpu.memory_space<hbm>>
    tpu.wait_dma2 semaphore(%arg22 : memref<!tpu.dma_semaphore, #tpu.memory_space<semaphore_mem>>) src(%arg13 : memref<200x128xf32, #tpu.memory_space<vmem>>) dst(%dma_wait3A_160 : memref<200x128xf32, #tpu.memory_space<hbm>>)
    return
  }
}

</mosaic_0001>

<sc_bundles>
// kernel: kernel.3.cloned.1.call-start
scs
__scs_entry_jumppad:
0x0: {  	(pc) =	sbr.rel $0x88, $3  }
0x1: {  	(tag) =	ssettag $0x0;
	lr =	simm.s32 $0x1  }
0x2: {  	[smem:$0x3F9E] =	sst lr;
	_ =	strace $0xD0000000  }
0x3: {  	_ = 	snop  }
0x4: {  	_ = 	snop  }
0x5: {  	_ = 	snop  }
0x6: {  	_ = 	snop  }
0x7: {  	_ = 	snop  }
__scs_overlays_trampoline_lowered:
0x8: {  	[smem:$0x3FAD] =	sst s0  }
0x9: {  	[smem:$0x3FAE] =	sst s1  }
0xa: {  	[smem:$0x3FAF] =	sst s2  }
0xb: {  	[smem:$0x3FB0] =	sst s3  }
0xc: {  	[smem:$0x3FB1] =	sst s4  }
0xd: {  	[smem:$0x3FB2] =	sst s5  }
0xe: {  	[smem:$0x3FB3] =	sst s6  }
0xf: {  	[smem:$0x3FB4] =	sst s7  }
0x10: {  	[smem:$0x3FB5] =	sst s8  }
0x11: {  	[smem:$0x3FB6] =	sst s9;
	s0 =	simm.s32 @!p0 $0x0  }
0x12: {  	s1 =	sld [smem:$0x3F9C];
	s0 =	simm.s32 @p0 $0x1  }
0x13: {  	[smem:$0x3FB7] =	sst s0;
	s0 =	simm.s32 @!p1 $0x0  }
0x14: {  	s2 =	sld [smem:$0x3F9B];
	s0 =	simm.s32 @p1 $0x1  }
0x15: {  	[smem:$0x3FB8] =	sst s0;
	s0 =	simm.s32 @!p2 $0x0  }
0x16: {  	s3 =	sld [smem:$0x3FDB];
	s0 =	simm.s32 @p2 $0x1  }
0x17: {  	s4 =	simm.s32 $0x1BF5;
	[smem:$0x3FBA] =	sst s0  }
0x18: {  	s0 =	sld [smem:$0x3F9D];
	_ =	swait.ge [sflag:s4], $0x0  }
0x19: {  	s7 =	sld [smem:$0x3F9E]  }
0x1a: {  	s8 =	sadd.s32 $0xFFFFE003, lr  }
0x1b: {  	s9 =	sadd.s32 $0xFFFFFEF7, lr;
	s5 =	simm.s32 $0xFFFFFFFF;
	p2 =	slt.u32 s8, $0xFFFFF086  }
0x1c: {  	p1 =	slt.u32 s9, $0xF7A;
	s5 =	simm.s32 @!p2 $0x0  }
0x1d: {  	s5 =	simm.s32 @p1 $0x1;
	p0 =	seq.s32 s7, s2  }
0x1e: {  	s7 =	smul.u32 @!p0 $0xF7A, s2;
	p2 =	seq.s32 @!p0 s5, $0x0  }
0x1f: {  	s9 =	smul.u32 $0xF7A, s1;
	s8 =	simm.s32 @!p0 $0x1BF5;
	p2 =	por !p2, p0  }
0x20: {  	[sflag:s8] =	ssyncset.s32 @!p0 $0xFFFFF086;
	s6 =	sadd.s32 @!p0 s3, s7;
	s7 =	simm.s32 @!p0 $0x108  }
0x21: {  	s3 =	sadd.s32 s3, s9;
	s6 =	sadd.s32 @!p0 $0x88, s6;
	s7 =	simm.s32 @p2 $0x1082  }
0x22: {  	[simem:s7], [sflag:s8] =	dma.local @!p0 [hbm:s6], $0xF7A  }
0x23: {  	s9 =	sor.u32 $0xD0000000, s2;
	s6 =	simm.s32 $0x108;
	_ =	swait.ge @!p0 [sflag:s8], $0x0  }
0x24: {  	s3 =	sadd.s32 $0x88, s3;
	s6 =	simm.s32 @!p1 $0x1082;
	[sflag:s4] =	ssyncset.s32 $0xFFFFF086  }
0x25: {  	[simem:s6], [sflag:s4] =	dma.local [hbm:s3], $0xF7A  }
0x26: {  	[smem:$0x3F9E] =	sst s1;
	(tag) =	ssettag s2;
	_ =	strace s9  }
0x27: {  	s1 =	sld [smem:$0x3FAE]  }
0x28: {  	s2 =	sld [smem:$0x3FAF]  }
0x29: {  	s4 =	sld [smem:$0x3FB1]  }
0x2a: {  	p0 =	seq.s32 s5, $0x0;
	s5 =	sld [smem:$0x3FB2]  }
0x2b: {  	s6 =	sld [smem:$0x3FB3]  }
0x2c: {  	s7 =	sld [smem:$0x3FB4]  }
0x2d: {  	s3 =	simm.s32 $0x108;
	s8 =	sld [smem:$0x3FB5]  }
0x2e: {  	s3 =	simm.s32 @!p0 $0x1082;
	s9 =	sld [smem:$0x3FB6]  }
0x2f: {  	lr =	sadd.s32 s0, s3;
	s0 =	sld [smem:$0x3FAD]  }
0x30: {  	s3 =	sld [smem:$0x3FB0]  }
0x31: {  	[smem:$0x3FB9] =	sst s10  }
0x32: {  	s10 =	sld [smem:$0x3FB7];
	_ =	sdelay $0x3  }
0x33: {  	p0 =	seq.s32 s10, $0x1;
	s10 =	sld [smem:$0x3FB9];
	_ =	sdelay $0x3  }
0x34: {  	[smem:$0x3FB9] =	sst s10  }
0x35: {  	s10 =	sld [smem:$0x3FB8];
	_ =	sdelay $0x3  }
0x36: {  	p1 =	seq.s32 s10, $0x1;
	s10 =	sld [smem:$0x3FB9];
	_ =	sdelay $0x3  }
0x37: {  	[smem:$0x3FB9] =	sst s10  }
0x38: {  	s10 =	sld [smem:$0x3FBA]  }
0x39: {  	_ = 	snop;
	(pc) =	sbr.ind lr, $3  }
0x3a: {  	_ = 	snop  }
0x3b: {  	_ = 	snop  }
0x3c: {  	p2 =	seq.s32 s10, $0x1;
	s10 =	sld [smem:$0x3FB9]  }
0x3d: {  	_ =	shalt  }
0x3e: {  	_ =	shalt  }
0x3f: {  	_ =	shalt  }
0x40: {  	_ =	shalt  }
0x41: {  	_ =	shalt  }
0x42: {  	_ =	shalt  }
0x43: {  	_ =	shalt  }
0x44: {  	_ =	shalt  }
0x45: {  	_ =	shalt  }
0x46: {  	_ =	shalt  }
0x47: {  	_ =	shalt  }
0x48: {  	_ =	shalt  }
0x49: {  	_ =	shalt  }
0x4a: {  	_ =	shalt  }
0x4b: {  	_ =	shalt  }
0x4c: {  	_ =	shalt  }
0x4d: {  	_ =	shalt  }
0x4e: {  	_ =	shalt  }
0x4f: {  	_ =	shalt  }
0x50: {  	_ =	shalt  }
0x51: {  	_ =	shalt  }
0x52: {  	_ =	shalt  }
0x53: {  	_ =	shalt  }
0x54: {  	_ =	shalt  }
0x55: {  	_ =	shalt  }
0x56: {  	_ =	shalt  }
0x57: {  	_ =	shalt  }
0x58: {  	_ =	shalt  }
0x59: {  	_ =	shalt  }
0x5a: {  	_ =	shalt  }
0x5b: {  	_ =	shalt  }
0x5c: {  	_ =	shalt  }
0x5d: {  	_ =	shalt  }
0x5e: {  	_ =	shalt  }
0x5f: {  	_ =	shalt  }
0x60: {  	_ =	shalt  }
0x61: {  	_ =	shalt  }
0x62: {  	_ =	shalt  }
0x63: {  	_ =	shalt  }
0x64: {  	_ =	shalt  }
0x65: {  	_ =	shalt  }
0x66: {  	_ =	shalt  }
0x67: {  	_ =	shalt  }
0x68: {  	_ =	shalt  }
0x69: {  	_ =	shalt  }
0x6a: {  	_ =	shalt  }
0x6b: {  	_ =	shalt  }
0x6c: {  	_ =	shalt  }
0x6d: {  	_ =	shalt  }
0x6e: {  	_ =	shalt  }
0x6f: {  	_ =	shalt  }
0x70: {  	_ =	shalt  }
0x71: {  	_ =	shalt  }
0x72: {  	_ =	shalt  }
0x73: {  	_ =	shalt  }
0x74: {  	_ =	shalt  }
0x75: {  	_ =	shalt  }
0x76: {  	_ =	shalt  }
0x77: {  	_ =	shalt  }
0x78: {  	_ =	shalt  }
0x79: {  	_ =	shalt  }
0x7a: {  	_ =	shalt  }
0x7b: {  	_ =	shalt  }
0x7c: {  	_ =	shalt  }
0x7d: {  	_ =	shalt  }
0x7e: {  	_ =	shalt  }
0x7f: {  	_ =	shalt  }
0x80: {  	_ =	shalt  }
0x81: {  	_ =	shalt  }
0x82: {  	_ =	shalt  }
0x83: {  	_ =	shalt  }
0x84: {  	_ =	shalt  }
0x85: {  	_ =	shalt  }
0x86: {  	_ =	shalt  }
0x87: {  	_ =	shalt  }
.Lfunc_end0:
.L_simem_size_0:
called_computation.1_lowered:
.L_overlay_start_0:
0x88: {  	s2 =	sld [smem:$0x3FD9]  }
0x89: {  	s3 =	sld [smem:$0x3FFE];
	_ =	sdelay $0x1  }
0x8a: {  	s1 =	srdreg.scid  }
0x8b: {  	s0 =	sand.u32 $0x1, s1  }
0x8c: {  	s17 =	sshll.u32 s0, $0xA;
	s2 =	sadd.s32 s3, s2  }
0x8d: {  	s2 =	sadd.s32 s2, s17  }
0x8e: {  	[smem:$0x3FC5] =	sst s2  }
0x8f: {  	_ = 	snop  }
0x90: {  	s2 =	sld [smem:$0x3FD0];
	(tm) =	ssettm $0x1  }
0x91: {  	s18 =	sld [smem:$0x3FFB];
	_ =	sdelay $0x3  }
0x92: {  	_ =	strace s18  }
0x93: {  	s3 =	sld [smem:$0x3FFC];
	_ =	sdelay $0x3  }
0x94: {  	_ =	strace s3  }
0x95: {  	s3 =	sld [smem:$0x3FFD];
	_ =	sdelay $0x3  }
0x96: {  	_ =	strace s3  }
0x97: {  	_ =	strace $0x8FFFFFFF  }
0x98: {  	s19 =	sld [smem:$0x3FDB];
	_ =	sdelay $0x1  }
0x99: {  	s4 =	simm.s32 $_scs_section_size  }
0x9a: {  	s5 =	simm.s32 $_size__tile_overlayer_lowered;
	s6 =	simm.s32 $_tile_overlayer_lowered  }
0x9b: {  	s22 =	simm.s32 $0x1BFF;
	s21 =	sshll.u32 s6, $0x1;
	s3 =	sadd.s32 s4, s19  }
0x9c: {  	s7 =	simm.s32 $0x0;
	s20 =	sshll.u32 s5, $0x1;
	s5 =	sadd.s32 s21, s3  }
0x9d: {  	[timem:s7], [sflag:s22] =	dma.local [hbm:s5], s20  }
0x9e: {  	_ =	swait.ge [sflag:s22], s20  }
0x9f: {  	s4 =	ssub.s32 $0x0, s20;
	[sflag:s22] =	ssyncset.done $0x0  }
0xa0: {  	[sflag:s22] =	ssyncadd.s32 s4;
	_ =	sdelay $0x1  }
0xa1: {  	s23 =	simm.s32 $0x1B8B  }
0xa2: {  	_ =	swait.ge [sflag:s23], $0x1  }
0xa3: {  	[sflag:s23] =	ssyncset.done $0x0  }
0xa4: {  	s25 =	simm.s32 $0x1B8E;
	s24 =	sld [smem:$0x3FFE];
	[sflag:s23] =	ssyncadd.s32 $0xFFFFFFFF  }
0xa5: {  	s26 =	simm.s32 $execute0_lowered;
	[smem:$0x3FD2] =	sst s25  }
0xa6: {  	s5 =	sshll.u32 s26, $0x1;
	_ =	strace $0x80000046;
	[dreg:$0x1] =	wrdreg $0xFFFFFFFF  }
0xa7: {  	s28 =	simm.s32 $_size_execute0_lowered;
	s3 =	sadd.s32 s3, s5;
	[dreg:$0x0] =	wrdreg $0x0  }
0xa8: {  	s5 =	sshll.u32 s28, $0x1;
	[dreg:$0x2] =	wrdreg s3  }
0xa9: {  	[dreg:$0x3] =	wrdreg s5  }
0xaa: {  	[dreg:$0x4] =	wrdreg $0xC0  }
0xab: {  	_ =	task [dreg:s7], $0x5FFFF  }
0xac: {  	[dreg:$0x1] =	wrdreg $0xFFFFFFFF  }
0xad: {  	[dreg:$0x0] =	wrdreg $0x60  }
0xae: {  	[dreg:$0x2] =	wrdreg s2  }
0xaf: {  	[dreg:$0x3] =	wrdreg s24  }
0xb0: {  	[dreg:$0x4] =	wrdreg $0x9  }
0xb1: {  	_ =	task.clear_ibuf [dreg:s7], $0x5FFFF;
	_ =	strace $0x90000046  }
0xb2: {  	s29 =	simm.s32 $0x9;
	_ =	strace $0x80000048  }
0xb3: {  	_ =	swait.ge [sflag:s29], $0x1  }
0xb4: {  	[sflag:s29] =	ssyncadd.s32 $0xFFFFFFFF  }
0xb5: {  	_ =	strace $0x90000048  }
0xb6: {  	_ =	sfence  }
0xb7: {  	s30 =	sld [smem:$0x0];
	_ =	sdelay $0x2  }
0xb8: {  	s31 =	sshll.u32 s1, $0xD;
	s1 =	sshrl.u32 s1, $0x2  }
0xb9: {  	s3 =	sand.u32 $0x4000, s31;
	s1 =	sadd.s32 s1, s30  }
0xba: {  	s0 =	sor.u32 s3, s0;
	s1 =	sshll.u32 s1, $0x11  }
0xbb: {  	s0 =	sor.u32 s1, s0  }
0xbc: {  	s0 =	sadd.s32 $0x8F2B, s0  }
0xbd: {  	[sflag:s0] =	ssyncadd.remote.s32 $0x1  }
0xbe: {  	_ =	sfence.sel $0xFFFF  }
0xbf: {  	[dreg:$0x0] =	wrdreg $0xFFFFFFFF;
	(pc) =	sbr.abs _section_cstart, $3  }
0xc0: {  	[dreg:$0x1] =	wrdreg $0xFFFFFFFF  }
0xc1: {  	_ =	task.clear_ibuf [dreg:s7], $0x2FFFF;
	_ =	strace $0x9FFFFFFF  }
0xc2: {  	(tm) =	ssettm $0x7FFFFFFF  }
0xc3: {  	_ =	shalt  }
tec
execute0_lowered:
.L_overlay_start_1:
0x0: {  	(tag) =	ssettag $0x1  }
0x1: {  	s2 =	rddreg [dreg:$0x0]  }
0x2: {  	s0 =	rddreg [dreg:$0x1];
	s1 =	srdreg.scid  }
0x3: {  	s4 =	stileid.u32;
	s3 =	simm.s32 $0x0;
	s28 =	simm.s32 $0x400  }
0x4: {  	s29 =	simm.s32 $0x48;
	s31 =	simm.s32 $0x100;
	s30 =	simm.s32 $0x2  }
0x5: {  	s1 =	sand.u32 $0x1, s1;
	s4 =	sshll.u32 s4, $0x1;
	[smem:$0x7FF] =	sst s3  }
0x6: {  	s5 =	sadd.s32 $0xF44000, s0;
	s6 =	sadd.s32 $0xE00, s0;
	s7 =	sadd.s32 $0x1C00, s0  }
0x7: {  	s4 =	sor.u32 s1, s4;
	_ =	strace $0x80000047;
	s1 =	ssub.s32 $0x2, s1  }
0x8: {  	[dreg:$0x3] =	wrdreg s6;
	s8 =	smul.u32 $0x1900, s4;
	s11 =	sshrl.u32 s1, $0x1  }
0x9: {  	s4 =	smul.u32 $0xC8000, s4;
	s12 =	ssub.s32 s1, s11;
	s11 =	simm.s32 $0xCC00  }
0xa: {  	s13 =	sshrl.u32 s8, $0x3;
	s14 =	sadd.s32 $0x190, s8;
	s15 =	sadd.s32 $0x258, s8  }
0xb: {  	s19 =	sadd.s32 $0x320, s8;
	s20 =	sor.u32 $0xC8, s8;
	s21 =	sshrl.u32 s4, $0x3  }
0xc: {  	s22 =	sadd.s32 $0x3E8, s8;
	s23 =	sadd.s32 $0x4B0, s8;
	[dreg:$0x8] =	wrdreg s19  }
0xd: {  	s0 =	smax.u32 s12, $0x1;
	s12 =	simm.s32 $0x7;
	[dreg:$0x9] =	wrdreg s20  }
0xe: {  	s9 =	sadd.s32 s2, s13;
	s16 =	smov.u32 s14;
	[dreg:$0xa] =	wrdreg s22  }
0xf: {  	s1 =	sshrl.u32 s14, $0x3;
	s17 =	smov.u32 s15;
	[dreg:$0xb] =	wrdreg s23  }
0x10: {  	s6 =	sshrl.u32 s15, $0x3;
	s15 =	smov.u32 s8;
	[dreg:$0x10] =	wrdreg s0  }
0x11: {  	s0 =	simm.s32 $0x6800;
	s19 =	simm.s32 $0x300;
	s20 =	simm.s32 $0x13000  }
0x12: {  	s23 =	simm.s32 $0x1;
	[dreg:$0x4] =	wrdreg s9;
	s9 =	sadd.s32 $0x19, s9  }
0x13: {  	s13 =	simm.s32 $0x4;
	s1 =	sadd.s32 s2, s1;
	[dreg:$0x5] =	wrdreg s9  }
0x14: {  	s18 =	sadd.s32 s2, s6;
	[dreg:$0x6] =	wrdreg s1;
	s1 =	sadd.s32 s7, s21  }
0x15: {  	s6 =	simm.s32 $0x200;
	[dreg:$0x7] =	wrdreg s18;
	s24 =	sadd.s32 $0x15E00, s1  }
0x16: {  	s18 =	sadd.s32 $0x578, s8;
	s25 =	sadd.s32 $0x16A80, s1;
	[dreg:$0xc] =	wrdreg s24  }
0x17: {  	s8 =	simm.s32 $0x5;
	s26 =	sadd.s32 $0x17700, s1;
	[dreg:$0xd] =	wrdreg s25  }
0x18: {  	s21 =	simm.s32 $0x8;
	s1 =	sadd.s32 $0x18380, s1;
	[dreg:$0xe] =	wrdreg s26  }
0x19: {  	s9 =	simm.s32 $0x0;
	[dreg:$0xf] =	wrdreg s1;
	s25 =	simm.s32 $0x9  }
0x1a: {  	s26 =	simm.s32 $0x80;
	s1 =	simm.s32 $0x6;
	s24 =	simm.s32 $0x3  }
.LBB2_1:
0x1b: {  	[dreg:$0x11] =	wrdreg s9  }
0x1c: {  	s4 =	rddreg [dreg:$0x3];
	s14 =	simm.s32 $0x19400  }
0x1d: {  	[tilespmem:s14], [sflag:$0x9] =	stream.linear.gather [hbm4b:s4+s3], $0x6400, $0x38;
	[tilespmem:$0x1F800] =	vst v63  }
0x1e: {  	_ =	swait.ge [sflag:s25], $0x6400  }
0x1f: {  	[sflag:s25] =	ssyncset.done $0x0  }
0x20: {  	s22 =	rddreg [dreg:$0x4];
	[sflag:s25] =	ssyncadd.s32 $0xFFFF9C00  }
0x21: {  	[tilespmem:s3], [sflag:$0x9] =	stream.linear.gather [hbm4b:s22+s3], $0xC8, $0x38;
	[tilespmem:$0x1F800] =	vst v63  }
0x22: {  	_ =	swait.ge [sflag:s25], $0xC8  }
0x23: {  	[sflag:s25] =	ssyncset.done $0x0  }
0x24: {  	[sflag:s25] =	ssyncadd.s32 $0xFFFFFF38  }
0x25: {  	[tilespmem:s28], [sflag:$0x1] =	stream.indirect.gather [hbm4b:s5+s26], $0x80, s3, s26, $0xb8;
	[tilespmem:$0x1F800] =	vst v63  }
0x26: {  	s9 =	simm.s32 $0x4400  }
0x27: {  	[tilespmem:s9], [sflag:$0x1] =	stream.indirect.gather [hbm4b:s5+s29], $0x80, s26, s29, $0xb8;
	[tilespmem:$0x1F800] =	vst v63  }
0x28: {  	s10 =	rddreg [dreg:$0x5]  }
0x29: {  	[tilespmem:s31], [sflag:$0x9] =	stream.linear.gather [hbm4b:s10+s3], $0xC8, $0x38;
	[tilespmem:$0x1F800] =	vst v63  }
0x2a: {  	_ =	swait.ge [sflag:s25], $0xC8  }
0x2b: {  	[sflag:s25] =	ssyncset.done $0x0  }
0x2c: {  	[sflag:s25] =	ssyncadd.s32 $0xFFFFFF38  }
0x2d: {  	[tilespmem:s0], [sflag:$0x2] =	stream.indirect.gather [hbm4b:s5+s26], $0x80, s31, s26, $0xb8;
	[tilespmem:$0x1F800] =	vst v63  }
0x2e: {  	s14 =	simm.s32 $0x180;
	s22 =	simm.s32 $0xA800  }
0x2f: {  	[tilespmem:s22], [sflag:$0x2] =	stream.indirect.gather [hbm4b:s5+s29], $0x80, s14, s29, $0xb8;
	[tilespmem:$0x1F800] =	vst v63  }
0x30: {  	s10 =	rddreg [dreg:$0x6]  }
0x31: {  	[tilespmem:s6], [sflag:$0x9] =	stream.linear.gather [hbm4b:s10+s3], $0xC8, $0x38;
	[tilespmem:$0x1F800] =	vst v63  }
0x32: {  	_ =	swait.ge [sflag:s25], $0xC8  }
0x33: {  	[sflag:s25] =	ssyncset.done $0x0  }
0x34: {  	[sflag:s25] =	ssyncadd.s32 $0xFFFFFF38  }
0x35: {  	[tilespmem:s11], [sflag:$0x3] =	stream.indirect.gather [hbm4b:s5+s26], $0x80, s6, s26, $0xb8;
	[tilespmem:$0x1F800] =	vst v63  }
0x36: {  	s14 =	simm.s32 $0x280;
	s22 =	simm.s32 $0x10C00  }
0x37: {  	[tilespmem:s22], [sflag:$0x3] =	stream.indirect.gather [hbm4b:s5+s29], $0x80, s14, s29, $0xb8;
	[tilespmem:$0x1F800] =	vst v63  }
0x38: {  	s10 =	rddreg [dreg:$0x7]  }
0x39: {  	[tilespmem:s19], [sflag:$0x9] =	stream.linear.gather [hbm4b:s10+s3], $0xC8, $0x38;
	[tilespmem:$0x1F800] =	vst v63  }
0x3a: {  	_ =	swait.ge [sflag:s25], $0xC8  }
0x3b: {  	[sflag:s25] =	ssyncset.done $0x0  }
0x3c: {  	[sflag:s25] =	ssyncadd.s32 $0xFFFFFF38  }
0x3d: {  	[tilespmem:s20], [sflag:$0x4] =	stream.indirect.gather [hbm4b:s5+s26], $0x80, s19, s26, $0xb8;
	[tilespmem:$0x1F800] =	vst v63  }
0x3e: {  	s14 =	simm.s32 $0x380;
	s22 =	simm.s32 $0x17000  }
0x3f: {  	[tilespmem:s22], [sflag:$0x4] =	stream.indirect.gather [hbm4b:s5+s29], $0x80, s14, s29, $0xb8;
	[tilespmem:$0x1F800] =	vst v63  }
0x40: {  	s22 =	simm.s32 $0x0  }
.LBB2_2:
0x41: {  	_ =	swait.ge [sflag:s23], $0x6400  }
0x42: {  	[sflag:s23] =	ssyncset.done $0x0  }
0x43: {  	s10 =	simm.s32 $0x0;
	[sflag:s23] =	ssyncadd.s32 $0xFFFF9C00  }
0x44: {  	v0 =	vld [tilespmem:s10+$0x197B0]  }
0x45: {  	v1 =	vld [tilespmem:s10+$0x19400]  }
0x46: {  	v2 =	vld [tilespmem:s10+$0x19410]  }
0x47: {  	v3 =	vld [tilespmem:s10+$0x19420]  }
0x48: {  	v4 =	vld [tilespmem:s10+$0x19430]  }
0x49: {  	v5 =	vld [tilespmem:s10+$0x19480]  }
0x4a: {  	v6 =	vld [tilespmem:s10+$0x19490]  }
0x4b: {  	v7 =	vld [tilespmem:s10+$0x194A0]  }
0x4c: {  	v8 =	vld [tilespmem:s10+$0x194B0]  }
0x4d: {  	v9 =	vld [tilespmem:s10+$0x19500]  }
0x4e: {  	v10 =	vld [tilespmem:s10+$0x19510]  }
0x4f: {  	v11 =	vld [tilespmem:s10+$0x19520]  }
0x50: {  	v12 =	vld [tilespmem:s10+$0x19530]  }
0x51: {  	v13 =	vld [tilespmem:s10+$0x19580]  }
0x52: {  	v14 =	vld [tilespmem:s10+$0x19590]  }
0x53: {  	v15 =	vld [tilespmem:s10+$0x195A0]  }
0x54: {  	v16 =	vld [tilespmem:s10+$0x195B0]  }
0x55: {  	v17 =	vld [tilespmem:s10+$0x19600]  }
0x56: {  	v18 =	vld [tilespmem:s10+$0x19610]  }
0x57: {  	v19 =	vld [tilespmem:s10+$0x19620]  }
0x58: {  	v20 =	vld [tilespmem:s10+$0x19630]  }
0x59: {  	v21 =	vld [tilespmem:s10+$0x19680]  }
0x5a: {  	v22 =	vld [tilespmem:s10+$0x19690]  }
0x5b: {  	v23 =	vld [tilespmem:s10+$0x196A0]  }
0x5c: {  	v24 =	vld [tilespmem:s10+$0x196B0]  }
0x5d: {  	v25 =	vld [tilespmem:s10+$0x19700]  }
0x5e: {  	v26 =	vld [tilespmem:s10+$0x19710]  }
0x5f: {  	v27 =	vld [tilespmem:s10+$0x19720]  }
0x60: {  	v28 =	vld [tilespmem:s10+$0x19730]  }
0x61: {  	v29 =	vld [tilespmem:s10+$0x19780]  }
0x62: {  	v30 =	vld [tilespmem:s10+$0x19790]  }
0x63: {  	[tilespmem:s10+$0x7B0] =	vst.add.f32.msk $0xffff, v0  }
0x64: {  	v0 =	vld [tilespmem:s10+$0x197A0]  }
0x65: {  	[tilespmem:s10+$0x400] =	vst.add.f32.msk $0xffff, v1  }
0x66: {  	[tilespmem:s10+$0x410] =	vst.add.f32.msk $0xffff, v2  }
0x67: {  	[tilespmem:s10+$0x420] =	vst.add.f32.msk $0xffff, v3  }
0x68: {  	[tilespmem:s10+$0x430] =	vst.add.f32.msk $0xffff, v4  }
0x69: {  	[tilespmem:s10+$0x480] =	vst.add.f32.msk $0xffff, v5  }
0x6a: {  	[tilespmem:s10+$0x490] =	vst.add.f32.msk $0xffff, v6  }
0x6b: {  	[tilespmem:s10+$0x4A0] =	vst.add.f32.msk $0xffff, v7  }
0x6c: {  	[tilespmem:s10+$0x4B0] =	vst.add.f32.msk $0xffff, v8  }
0x6d: {  	[tilespmem:s10+$0x500] =	vst.add.f32.msk $0xffff, v9  }
0x6e: {  	[tilespmem:s10+$0x510] =	vst.add.f32.msk $0xffff, v10  }
0x6f: {  	[tilespmem:s10+$0x520] =	vst.add.f32.msk $0xffff, v11  }
0x70: {  	[tilespmem:s10+$0x530] =	vst.add.f32.msk $0xffff, v12  }
0x71: {  	[tilespmem:s10+$0x580] =	vst.add.f32.msk $0xffff, v13  }
0x72: {  	[tilespmem:s10+$0x590] =	vst.add.f32.msk $0xffff, v14  }
0x73: {  	[tilespmem:s10+$0x5A0] =	vst.add.f32.msk $0xffff, v15  }
0x74: {  	[tilespmem:s10+$0x5B0] =	vst.add.f32.msk $0xffff, v16  }
0x75: {  	[tilespmem:s10+$0x600] =	vst.add.f32.msk $0xffff, v17  }
0x76: {  	[tilespmem:s10+$0x610] =	vst.add.f32.msk $0xffff, v18  }
0x77: {  	[tilespmem:s10+$0x620] =	vst.add.f32.msk $0xffff, v19  }
0x78: {  	[tilespmem:s10+$0x630] =	vst.add.f32.msk $0xffff, v20  }
0x79: {  	[tilespmem:s10+$0x680] =	vst.add.f32.msk $0xffff, v21  }
0x7a: {  	[tilespmem:s10+$0x690] =	vst.add.f32.msk $0xffff, v22  }
0x7b: {  	[tilespmem:s10+$0x6A0] =	vst.add.f32.msk $0xffff, v23  }
0x7c: {  	[tilespmem:s10+$0x6B0] =	vst.add.f32.msk $0xffff, v24  }
0x7d: {  	[tilespmem:s10+$0x700] =	vst.add.f32.msk $0xffff, v25  }
0x7e: {  	[tilespmem:s10+$0x710] =	vst.add.f32.msk $0xffff, v26  }
0x7f: {  	[tilespmem:s10+$0x720] =	vst.add.f32.msk $0xffff, v27  }
0x80: {  	[tilespmem:s10+$0x730] =	vst.add.f32.msk $0xffff, v28  }
0x81: {  	[tilespmem:s10+$0x780] =	vst.add.f32.msk $0xffff, v29  }
0x82: {  	s9 =	simm.s32 $0x0;
	s4 =	simm.s32 $0x1000;
	[tilespmem:s10+$0x790] =	vst.add.f32.msk $0xffff, v30  }
.LBB2_3:
0x83: {  	s9 =	sadd.s32 $0x8, s9;
	[tilespmem:s10+$0x7A0] =	vst.add.f32.msk $0xffff, v0;
	s10 =	sshra.s32 s4, $0x2  }
0x84: {  	v0 =	vld [tilespmem:s10+$0x197B0];
	p0 =	slt.u32 s9, $0xC0  }
0x85: {  	v1 =	vld [tilespmem:s10+$0x19400]  }
0x86: {  	v2 =	vld [tilespmem:s10+$0x19410]  }
0x87: {  	v3 =	vld [tilespmem:s10+$0x19420]  }
0x88: {  	v4 =	vld [tilespmem:s10+$0x19430]  }
0x89: {  	[tilespmem:s10+$0x7B0] =	vst.add.f32.msk $0xffff, v0  }
0x8a: {  	v5 =	vld [tilespmem:s10+$0x19480]  }
0x8b: {  	v6 =	vld [tilespmem:s10+$0x19490]  }
0x8c: {  	v7 =	vld [tilespmem:s10+$0x194A0]  }
0x8d: {  	v8 =	vld [tilespmem:s10+$0x194B0]  }
0x8e: {  	v9 =	vld [tilespmem:s10+$0x19500]  }
0x8f: {  	v10 =	vld [tilespmem:s10+$0x19510]  }
0x90: {  	v11 =	vld [tilespmem:s10+$0x19520]  }
0x91: {  	v12 =	vld [tilespmem:s10+$0x19530]  }
0x92: {  	v13 =	vld [tilespmem:s10+$0x19580]  }
0x93: {  	v14 =	vld [tilespmem:s10+$0x19590]  }
0x94: {  	v15 =	vld [tilespmem:s10+$0x195A0]  }
0x95: {  	v16 =	vld [tilespmem:s10+$0x195B0]  }
0x96: {  	v17 =	vld [tilespmem:s10+$0x19600]  }
0x97: {  	v18 =	vld [tilespmem:s10+$0x19610]  }
0x98: {  	v19 =	vld [tilespmem:s10+$0x19620]  }
0x99: {  	v20 =	vld [tilespmem:s10+$0x19630]  }
0x9a: {  	v21 =	vld [tilespmem:s10+$0x19680]  }
0x9b: {  	v22 =	vld [tilespmem:s10+$0x19690]  }
0x9c: {  	v23 =	vld [tilespmem:s10+$0x196A0]  }
0x9d: {  	v24 =	vld [tilespmem:s10+$0x196B0]  }
0x9e: {  	v25 =	vld [tilespmem:s10+$0x19700]  }
0x9f: {  	v26 =	vld [tilespmem:s10+$0x19710]  }
0xa0: {  	v27 =	vld [tilespmem:s10+$0x19720]  }
0xa1: {  	v28 =	vld [tilespmem:s10+$0x19730]  }
0xa2: {  	v29 =	vld [tilespmem:s10+$0x19780]  }
0xa3: {  	v30 =	vld [tilespmem:s10+$0x19790]  }
0xa4: {  	v0 =	vld [tilespmem:s10+$0x197A0]  }
0xa5: {  	[tilespmem:s10+$0x400] =	vst.add.f32.msk $0xffff, v1  }
0xa6: {  	[tilespmem:s10+$0x410] =	vst.add.f32.msk $0xffff, v2  }
0xa7: {  	[tilespmem:s10+$0x420] =	vst.add.f32.msk $0xffff, v3  }
0xa8: {  	[tilespmem:s10+$0x430] =	vst.add.f32.msk $0xffff, v4  }
0xa9: {  	[tilespmem:s10+$0x480] =	vst.add.f32.msk $0xffff, v5  }
0xaa: {  	[tilespmem:s10+$0x490] =	vst.add.f32.msk $0xffff, v6  }
0xab: {  	[tilespmem:s10+$0x4A0] =	vst.add.f32.msk $0xffff, v7  }
0xac: {  	[tilespmem:s10+$0x4B0] =	vst.add.f32.msk $0xffff, v8  }
0xad: {  	[tilespmem:s10+$0x500] =	vst.add.f32.msk $0xffff, v9  }
0xae: {  	[tilespmem:s10+$0x510] =	vst.add.f32.msk $0xffff, v10  }
0xaf: {  	[tilespmem:s10+$0x520] =	vst.add.f32.msk $0xffff, v11  }
0xb0: {  	[tilespmem:s10+$0x530] =	vst.add.f32.msk $0xffff, v12  }
0xb1: {  	[tilespmem:s10+$0x580] =	vst.add.f32.msk $0xffff, v13  }
0xb2: {  	[tilespmem:s10+$0x590] =	vst.add.f32.msk $0xffff, v14  }
0xb3: {  	[tilespmem:s10+$0x5A0] =	vst.add.f32.msk $0xffff, v15  }
0xb4: {  	[tilespmem:s10+$0x5B0] =	vst.add.f32.msk $0xffff, v16  }
0xb5: {  	[tilespmem:s10+$0x600] =	vst.add.f32.msk $0xffff, v17  }
0xb6: {  	[tilespmem:s10+$0x610] =	vst.add.f32.msk $0xffff, v18  }
0xb7: {  	[tilespmem:s10+$0x620] =	vst.add.f32.msk $0xffff, v19  }
0xb8: {  	[tilespmem:s10+$0x630] =	vst.add.f32.msk $0xffff, v20  }
0xb9: {  	[tilespmem:s10+$0x680] =	vst.add.f32.msk $0xffff, v21  }
0xba: {  	[tilespmem:s10+$0x690] =	vst.add.f32.msk $0xffff, v22  }
0xbb: {  	[tilespmem:s10+$0x6A0] =	vst.add.f32.msk $0xffff, v23  }
0xbc: {  	[tilespmem:s10+$0x6B0] =	vst.add.f32.msk $0xffff, v24  }
0xbd: {  	[tilespmem:s10+$0x700] =	vst.add.f32.msk $0xffff, v25  }
.Ltmp0:
0xbe: {  	[tilespmem:s10+$0x710] =	vst.add.f32.msk $0xffff, v26;
	(pc) =	sbr.rel @p0 .LBB2_3-.Ltmp0, $4  }
0xbf: {  	[tilespmem:s10+$0x720] =	vst.add.f32.msk $0xffff, v27  }
0xc0: {  	[tilespmem:s10+$0x730] =	vst.add.f32.msk $0xffff, v28  }
0xc1: {  	[tilespmem:s10+$0x780] =	vst.add.f32.msk $0xffff, v29  }
0xc2: {  	s4 =	sadd.s32 $0x1000, s4;
	[tilespmem:s10+$0x790] =	vst.add.f32.msk $0xffff, v30  }
0xc3: {  	s9 =	smul.u32 $0x320, s22;
	_ =	sdelay $0x1  }
0xc4: {  	s4 =	sadd.s32 s15, s9  }
0xc5: {  	s4 =	sshll.u32 s4, $0x4  }
0xc6: {  	[tilespmem:s10+$0x7A0] =	vst.add.f32.msk $0xffff, v0;
	s10 =	simm.s32 $0x0;
	s4 =	sadd.s32 s7, s4  }
0xc7: {  	[hbm4b:s4+s10] =	stream.linear.scatter [tilespmem:s28], [sflag:$0x5], $0x6400, $0x38;
	[tilespmem:$0x1F800] =	vst v63  }
0xc8: {  	_ =	swait.ge [sflag:s8], $0x6400  }
0xc9: {  	s14 =	rddreg [dreg:$0x8]  }
0xca: {  	s4 =	sadd.s32 s9, s14  }
0xcb: {  	[sflag:s8] =	ssyncset.done $0x0;
	s4 =	sshrl.u32 s4, $0x3  }
0xcc: {  	[sflag:s8] =	ssyncadd.s32 $0xFFFF9C00;
	s4 =	sadd.s32 s2, s4  }
0xcd: {  	[tilespmem:s10], [sflag:$0x9] =	stream.linear.gather [hbm4b:s4+s10], $0xC8, $0x38;
	[tilespmem:$0x1F800] =	vst v63  }
0xce: {  	_ =	swait.ge [sflag:s25], $0xC8  }
0xcf: {  	[sflag:s25] =	ssyncset.done $0x0  }
0xd0: {  	[sflag:s25] =	ssyncadd.s32 $0xFFFFFF38  }
0xd1: {  	[tilespmem:s28], [sflag:$0x1] =	stream.indirect.gather [hbm4b:s5+s26], $0x80, s10, s26, $0xb8;
	[tilespmem:$0x1F800] =	vst v63  }
0xd2: {  	s14 =	simm.s32 $0x4400  }
0xd3: {  	[tilespmem:s14], [sflag:$0x1] =	stream.indirect.gather [hbm4b:s5+s29], $0x80, s26, s29, $0xb8;
	[tilespmem:$0x1F800] =	vst v63  }
0xd4: {  	_ =	swait.ge [sflag:s30], $0x6400  }
0xd5: {  	[sflag:s30] =	ssyncset.done $0x0  }
0xd6: {  	s10 =	simm.s32 $0x0;
	[sflag:s30] =	ssyncadd.s32 $0xFFFF9C00  }
0xd7: {  	v0 =	vld [tilespmem:s10+$0x197B0]  }
0xd8: {  	v1 =	vld [tilespmem:s10+$0x19400]  }
0xd9: {  	v2 =	vld [tilespmem:s10+$0x19410]  }
0xda: {  	v3 =	vld [tilespmem:s10+$0x19420]  }
0xdb: {  	v4 =	vld [tilespmem:s10+$0x19430]  }
0xdc: {  	v5 =	vld [tilespmem:s10+$0x19480]  }
0xdd: {  	v6 =	vld [tilespmem:s10+$0x19490]  }
0xde: {  	v7 =	vld [tilespmem:s10+$0x194A0]  }
0xdf: {  	v8 =	vld [tilespmem:s10+$0x194B0]  }
0xe0: {  	v9 =	vld [tilespmem:s10+$0x19500]  }
0xe1: {  	v10 =	vld [tilespmem:s10+$0x19510]  }
0xe2: {  	v11 =	vld [tilespmem:s10+$0x19520]  }
0xe3: {  	v12 =	vld [tilespmem:s10+$0x19530]  }
0xe4: {  	v13 =	vld [tilespmem:s10+$0x19580]  }
0xe5: {  	v14 =	vld [tilespmem:s10+$0x19590]  }
0xe6: {  	v15 =	vld [tilespmem:s10+$0x195A0]  }
0xe7: {  	v16 =	vld [tilespmem:s10+$0x195B0]  }
0xe8: {  	v17 =	vld [tilespmem:s10+$0x19600]  }
0xe9: {  	v18 =	vld [tilespmem:s10+$0x19610]  }
0xea: {  	v19 =	vld [tilespmem:s10+$0x19620]  }
0xeb: {  	v20 =	vld [tilespmem:s10+$0x19630]  }
0xec: {  	v21 =	vld [tilespmem:s10+$0x19680]  }
0xed: {  	v22 =	vld [tilespmem:s10+$0x19690]  }
0xee: {  	v23 =	vld [tilespmem:s10+$0x196A0]  }
0xef: {  	v24 =	vld [tilespmem:s10+$0x196B0]  }
0xf0: {  	v25 =	vld [tilespmem:s10+$0x19700]  }
0xf1: {  	v26 =	vld [tilespmem:s10+$0x19710]  }
0xf2: {  	v27 =	vld [tilespmem:s10+$0x19720]  }
0xf3: {  	v28 =	vld [tilespmem:s10+$0x19730]  }
0xf4: {  	v29 =	vld [tilespmem:s10+$0x19780]  }
0xf5: {  	v30 =	vld [tilespmem:s10+$0x19790]  }
0xf6: {  	[tilespmem:s10+$0x6BB0] =	vst.add.f32.msk $0xffff, v0  }
0xf7: {  	v0 =	vld [tilespmem:s10+$0x197A0]  }
0xf8: {  	[tilespmem:s10+$0x6800] =	vst.add.f32.msk $0xffff, v1  }
0xf9: {  	[tilespmem:s10+$0x6810] =	vst.add.f32.msk $0xffff, v2  }
0xfa: {  	[tilespmem:s10+$0x6820] =	vst.add.f32.msk $0xffff, v3  }
0xfb: {  	[tilespmem:s10+$0x6830] =	vst.add.f32.msk $0xffff, v4  }
0xfc: {  	[tilespmem:s10+$0x6880] =	vst.add.f32.msk $0xffff, v5  }
0xfd: {  	[tilespmem:s10+$0x6890] =	vst.add.f32.msk $0xffff, v6  }
0xfe: {  	[tilespmem:s10+$0x68A0] =	vst.add.f32.msk $0xffff, v7  }
0xff: {  	[tilespmem:s10+$0x68B0] =	vst.add.f32.msk $0xffff, v8  }
0x100: {  	[tilespmem:s10+$0x6900] =	vst.add.f32.msk $0xffff, v9  }
0x101: {  	[tilespmem:s10+$0x6910] =	vst.add.f32.msk $0xffff, v10  }
0x102: {  	[tilespmem:s10+$0x6920] =	vst.add.f32.msk $0xffff, v11  }
0x103: {  	[tilespmem:s10+$0x6930] =	vst.add.f32.msk $0xffff, v12  }
0x104: {  	[tilespmem:s10+$0x6980] =	vst.add.f32.msk $0xffff, v13  }
0x105: {  	[tilespmem:s10+$0x6990] =	vst.add.f32.msk $0xffff, v14  }
0x106: {  	[tilespmem:s10+$0x69A0] =	vst.add.f32.msk $0xffff, v15  }
0x107: {  	[tilespmem:s10+$0x69B0] =	vst.add.f32.msk $0xffff, v16  }
0x108: {  	[tilespmem:s10+$0x6A00] =	vst.add.f32.msk $0xffff, v17  }
0x109: {  	[tilespmem:s10+$0x6A10] =	vst.add.f32.msk $0xffff, v18  }
0x10a: {  	[tilespmem:s10+$0x6A20] =	vst.add.f32.msk $0xffff, v19  }
0x10b: {  	[tilespmem:s10+$0x6A30] =	vst.add.f32.msk $0xffff, v20  }
0x10c: {  	[tilespmem:s10+$0x6A80] =	vst.add.f32.msk $0xffff, v21  }
0x10d: {  	[tilespmem:s10+$0x6A90] =	vst.add.f32.msk $0xffff, v22  }
0x10e: {  	[tilespmem:s10+$0x6AA0] =	vst.add.f32.msk $0xffff, v23  }
0x10f: {  	[tilespmem:s10+$0x6AB0] =	vst.add.f32.msk $0xffff, v24  }
0x110: {  	[tilespmem:s10+$0x6B00] =	vst.add.f32.msk $0xffff, v25  }
0x111: {  	[tilespmem:s10+$0x6B10] =	vst.add.f32.msk $0xffff, v26  }
0x112: {  	[tilespmem:s10+$0x6B20] =	vst.add.f32.msk $0xffff, v27  }
0x113: {  	[tilespmem:s10+$0x6B30] =	vst.add.f32.msk $0xffff, v28  }
0x114: {  	[tilespmem:s10+$0x6B80] =	vst.add.f32.msk $0xffff, v29  }
0x115: {  	s4 =	simm.s32 $0x0;
	s14 =	simm.s32 $0x1000;
	[tilespmem:s10+$0x6B90] =	vst.add.f32.msk $0xffff, v30  }
.LBB2_5:
0x116: {  	s4 =	sadd.s32 $0x8, s4;
	[tilespmem:s10+$0x6BA0] =	vst.add.f32.msk $0xffff, v0;
	s10 =	sshra.s32 s14, $0x2  }
0x117: {  	v0 =	vld [tilespmem:s10+$0x197B0];
	p0 =	slt.u32 s4, $0xC0  }
0x118: {  	v1 =	vld [tilespmem:s10+$0x19400]  }
0x119: {  	v2 =	vld [tilespmem:s10+$0x19410]  }
0x11a: {  	v3 =	vld [tilespmem:s10+$0x19420]  }
0x11b: {  	v4 =	vld [tilespmem:s10+$0x19430]  }
0x11c: {  	[tilespmem:s10+$0x6BB0] =	vst.add.f32.msk $0xffff, v0  }
0x11d: {  	v5 =	vld [tilespmem:s10+$0x19480]  }
0x11e: {  	v6 =	vld [tilespmem:s10+$0x19490]  }
0x11f: {  	v7 =	vld [tilespmem:s10+$0x194A0]  }
0x120: {  	v8 =	vld [tilespmem:s10+$0x194B0]  }
0x121: {  	v9 =	vld [tilespmem:s10+$0x19500]  }
0x122: {  	v10 =	vld [tilespmem:s10+$0x19510]  }
0x123: {  	v11 =	vld [tilespmem:s10+$0x19520]  }
0x124: {  	v12 =	vld [tilespmem:s10+$0x19530]  }
0x125: {  	v13 =	vld [tilespmem:s10+$0x19580]  }
0x126: {  	v14 =	vld [tilespmem:s10+$0x19590]  }
0x127: {  	v15 =	vld [tilespmem:s10+$0x195A0]  }
0x128: {  	v16 =	vld [tilespmem:s10+$0x195B0]  }
0x129: {  	v17 =	vld [tilespmem:s10+$0x19600]  }
0x12a: {  	v18 =	vld [tilespmem:s10+$0x19610]  }
0x12b: {  	v19 =	vld [tilespmem:s10+$0x19620]  }
0x12c: {  	v20 =	vld [tilespmem:s10+$0x19630]  }
0x12d: {  	v21 =	vld [tilespmem:s10+$0x19680]  }
0x12e: {  	v22 =	vld [tilespmem:s10+$0x19690]  }
0x12f: {  	v23 =	vld [tilespmem:s10+$0x196A0]  }
0x130: {  	v24 =	vld [tilespmem:s10+$0x196B0]  }
0x131: {  	v25 =	vld [tilespmem:s10+$0x19700]  }
0x132: {  	v26 =	vld [tilespmem:s10+$0x19710]  }
0x133: {  	v27 =	vld [tilespmem:s10+$0x19720]  }
0x134: {  	v28 =	vld [tilespmem:s10+$0x19730]  }
0x135: {  	v29 =	vld [tilespmem:s10+$0x19780]  }
0x136: {  	v30 =	vld [tilespmem:s10+$0x19790]  }
0x137: {  	v0 =	vld [tilespmem:s10+$0x197A0]  }
0x138: {  	[tilespmem:s10+$0x6800] =	vst.add.f32.msk $0xffff, v1  }
0x139: {  	[tilespmem:s10+$0x6810] =	vst.add.f32.msk $0xffff, v2  }
0x13a: {  	[tilespmem:s10+$0x6820] =	vst.add.f32.msk $0xffff, v3  }
0x13b: {  	[tilespmem:s10+$0x6830] =	vst.add.f32.msk $0xffff, v4  }
0x13c: {  	[tilespmem:s10+$0x6880] =	vst.add.f32.msk $0xffff, v5  }
0x13d: {  	[tilespmem:s10+$0x6890] =	vst.add.f32.msk $0xffff, v6  }
0x13e: {  	[tilespmem:s10+$0x68A0] =	vst.add.f32.msk $0xffff, v7  }
0x13f: {  	[tilespmem:s10+$0x68B0] =	vst.add.f32.msk $0xffff, v8  }
0x140: {  	[tilespmem:s10+$0x6900] =	vst.add.f32.msk $0xffff, v9  }
0x141: {  	[tilespmem:s10+$0x6910] =	vst.add.f32.msk $0xffff, v10  }
0x142: {  	[tilespmem:s10+$0x6920] =	vst.add.f32.msk $0xffff, v11  }
0x143: {  	[tilespmem:s10+$0x6930] =	vst.add.f32.msk $0xffff, v12  }
0x144: {  	[tilespmem:s10+$0x6980] =	vst.add.f32.msk $0xffff, v13  }
0x145: {  	[tilespmem:s10+$0x6990] =	vst.add.f32.msk $0xffff, v14  }
0x146: {  	[tilespmem:s10+$0x69A0] =	vst.add.f32.msk $0xffff, v15  }
0x147: {  	[tilespmem:s10+$0x69B0] =	vst.add.f32.msk $0xffff, v16  }
0x148: {  	[tilespmem:s10+$0x6A00] =	vst.add.f32.msk $0xffff, v17  }
0x149: {  	[tilespmem:s10+$0x6A10] =	vst.add.f32.msk $0xffff, v18  }
0x14a: {  	[tilespmem:s10+$0x6A20] =	vst.add.f32.msk $0xffff, v19  }
0x14b: {  	[tilespmem:s10+$0x6A30] =	vst.add.f32.msk $0xffff, v20  }
0x14c: {  	[tilespmem:s10+$0x6A80] =	vst.add.f32.msk $0xffff, v21  }
0x14d: {  	[tilespmem:s10+$0x6A90] =	vst.add.f32.msk $0xffff, v22  }
0x14e: {  	[tilespmem:s10+$0x6AA0] =	vst.add.f32.msk $0xffff, v23  }
0x14f: {  	[tilespmem:s10+$0x6AB0] =	vst.add.f32.msk $0xffff, v24  }
0x150: {  	[tilespmem:s10+$0x6B00] =	vst.add.f32.msk $0xffff, v25  }
.Ltmp1:
0x151: {  	[tilespmem:s10+$0x6B10] =	vst.add.f32.msk $0xffff, v26;
	(pc) =	sbr.rel @p0 .LBB2_5-.Ltmp1, $4  }
0x152: {  	[tilespmem:s10+$0x6B20] =	vst.add.f32.msk $0xffff, v27  }
0x153: {  	[tilespmem:s10+$0x6B30] =	vst.add.f32.msk $0xffff, v28  }
0x154: {  	[tilespmem:s10+$0x6B80] =	vst.add.f32.msk $0xffff, v29  }
0x155: {  	s14 =	sadd.s32 $0x1000, s14;
	[tilespmem:s10+$0x6B90] =	vst.add.f32.msk $0xffff, v30  }
0x156: {  	s4 =	rddreg [dreg:$0x9]  }
0x157: {  	s4 =	sadd.s32 s9, s4  }
0x158: {  	s4 =	sshll.u32 s4, $0x4  }
0x159: {  	[tilespmem:s10+$0x6BA0] =	vst.add.f32.msk $0xffff, v0;
	s10 =	simm.s32 $0x0;
	s4 =	sadd.s32 s7, s4  }
0x15a: {  	[hbm4b:s4+s10] =	stream.linear.scatter [tilespmem:s0], [sflag:$0x6], $0x6400, $0x38;
	[tilespmem:$0x1F800] =	vst v63  }
0x15b: {  	_ =	swait.ge [sflag:s1], $0x6400  }
0x15c: {  	s14 =	rddreg [dreg:$0xa]  }
0x15d: {  	s4 =	sadd.s32 s9, s14  }
0x15e: {  	[sflag:s1] =	ssyncset.done $0x0;
	s4 =	sshrl.u32 s4, $0x3  }
0x15f: {  	[sflag:s1] =	ssyncadd.s32 $0xFFFF9C00;
	s4 =	sadd.s32 s2, s4  }
0x160: {  	[tilespmem:s31], [sflag:$0x9] =	stream.linear.gather [hbm4b:s4+s10], $0xC8, $0x38;
	[tilespmem:$0x1F800] =	vst v63  }
0x161: {  	_ =	swait.ge [sflag:s25], $0xC8  }
0x162: {  	[sflag:s25] =	ssyncset.done $0x0  }
0x163: {  	[sflag:s25] =	ssyncadd.s32 $0xFFFFFF38  }
0x164: {  	[tilespmem:s0], [sflag:$0x2] =	stream.indirect.gather [hbm4b:s5+s26], $0x80, s31, s26, $0xb8;
	[tilespmem:$0x1F800] =	vst v63  }
0x165: {  	s14 =	simm.s32 $0xA800;
	s10 =	simm.s32 $0x180  }
0x166: {  	[tilespmem:s14], [sflag:$0x2] =	stream.indirect.gather [hbm4b:s5+s29], $0x80, s10, s29, $0xb8;
	[tilespmem:$0x1F800] =	vst v63  }
0x167: {  	_ =	swait.ge [sflag:s24], $0x6400  }
0x168: {  	[sflag:s24] =	ssyncset.done $0x0  }
0x169: {  	s10 =	simm.s32 $0x0;
	[sflag:s24] =	ssyncadd.s32 $0xFFFF9C00  }
0x16a: {  	v0 =	vld [tilespmem:s10+$0x197B0]  }
0x16b: {  	v1 =	vld [tilespmem:s10+$0x19400]  }
0x16c: {  	v2 =	vld [tilespmem:s10+$0x19410]  }
0x16d: {  	v3 =	vld [tilespmem:s10+$0x19420]  }
0x16e: {  	v4 =	vld [tilespmem:s10+$0x19430]  }
0x16f: {  	v5 =	vld [tilespmem:s10+$0x19480]  }
0x170: {  	v6 =	vld [tilespmem:s10+$0x19490]  }
0x171: {  	v7 =	vld [tilespmem:s10+$0x194A0]  }
0x172: {  	v8 =	vld [tilespmem:s10+$0x194B0]  }
0x173: {  	v9 =	vld [tilespmem:s10+$0x19500]  }
0x174: {  	v10 =	vld [tilespmem:s10+$0x19510]  }
0x175: {  	v11 =	vld [tilespmem:s10+$0x19520]  }
0x176: {  	v12 =	vld [tilespmem:s10+$0x19530]  }
0x177: {  	v13 =	vld [tilespmem:s10+$0x19580]  }
0x178: {  	v14 =	vld [tilespmem:s10+$0x19590]  }
0x179: {  	v15 =	vld [tilespmem:s10+$0x195A0]  }
0x17a: {  	v16 =	vld [tilespmem:s10+$0x195B0]  }
0x17b: {  	v17 =	vld [tilespmem:s10+$0x19600]  }
0x17c: {  	v18 =	vld [tilespmem:s10+$0x19610]  }
0x17d: {  	v19 =	vld [tilespmem:s10+$0x19620]  }
0x17e: {  	v20 =	vld [tilespmem:s10+$0x19630]  }
0x17f: {  	v21 =	vld [tilespmem:s10+$0x19680]  }
0x180: {  	v22 =	vld [tilespmem:s10+$0x19690]  }
0x181: {  	v23 =	vld [tilespmem:s10+$0x196A0]  }
0x182: {  	v24 =	vld [tilespmem:s10+$0x196B0]  }
0x183: {  	v25 =	vld [tilespmem:s10+$0x19700]  }
0x184: {  	v26 =	vld [tilespmem:s10+$0x19710]  }
0x185: {  	v27 =	vld [tilespmem:s10+$0x19720]  }
0x186: {  	v28 =	vld [tilespmem:s10+$0x19730]  }
0x187: {  	v29 =	vld [tilespmem:s10+$0x19780]  }
0x188: {  	v30 =	vld [tilespmem:s10+$0x19790]  }
0x189: {  	[tilespmem:s10+$0xCFB0] =	vst.add.f32.msk $0xffff, v0  }
0x18a: {  	v0 =	vld [tilespmem:s10+$0x197A0]  }
0x18b: {  	[tilespmem:s10+$0xCC00] =	vst.add.f32.msk $0xffff, v1  }
0x18c: {  	[tilespmem:s10+$0xCC10] =	vst.add.f32.msk $0xffff, v2  }
0x18d: {  	[tilespmem:s10+$0xCC20] =	vst.add.f32.msk $0xffff, v3  }
0x18e: {  	[tilespmem:s10+$0xCC30] =	vst.add.f32.msk $0xffff, v4  }
0x18f: {  	[tilespmem:s10+$0xCC80] =	vst.add.f32.msk $0xffff, v5  }
0x190: {  	[tilespmem:s10+$0xCC90] =	vst.add.f32.msk $0xffff, v6  }
0x191: {  	[tilespmem:s10+$0xCCA0] =	vst.add.f32.msk $0xffff, v7  }
0x192: {  	[tilespmem:s10+$0xCCB0] =	vst.add.f32.msk $0xffff, v8  }
0x193: {  	[tilespmem:s10+$0xCD00] =	vst.add.f32.msk $0xffff, v9  }
0x194: {  	[tilespmem:s10+$0xCD10] =	vst.add.f32.msk $0xffff, v10  }
0x195: {  	[tilespmem:s10+$0xCD20] =	vst.add.f32.msk $0xffff, v11  }
0x196: {  	[tilespmem:s10+$0xCD30] =	vst.add.f32.msk $0xffff, v12  }
0x197: {  	[tilespmem:s10+$0xCD80] =	vst.add.f32.msk $0xffff, v13  }
0x198: {  	[tilespmem:s10+$0xCD90] =	vst.add.f32.msk $0xffff, v14  }
0x199: {  	[tilespmem:s10+$0xCDA0] =	vst.add.f32.msk $0xffff, v15  }
0x19a: {  	[tilespmem:s10+$0xCDB0] =	vst.add.f32.msk $0xffff, v16  }
0x19b: {  	[tilespmem:s10+$0xCE00] =	vst.add.f32.msk $0xffff, v17  }
0x19c: {  	[tilespmem:s10+$0xCE10] =	vst.add.f32.msk $0xffff, v18  }
0x19d: {  	[tilespmem:s10+$0xCE20] =	vst.add.f32.msk $0xffff, v19  }
0x19e: {  	[tilespmem:s10+$0xCE30] =	vst.add.f32.msk $0xffff, v20  }
0x19f: {  	[tilespmem:s10+$0xCE80] =	vst.add.f32.msk $0xffff, v21  }
0x1a0: {  	[tilespmem:s10+$0xCE90] =	vst.add.f32.msk $0xffff, v22  }
0x1a1: {  	[tilespmem:s10+$0xCEA0] =	vst.add.f32.msk $0xffff, v23  }
0x1a2: {  	[tilespmem:s10+$0xCEB0] =	vst.add.f32.msk $0xffff, v24  }
0x1a3: {  	[tilespmem:s10+$0xCF00] =	vst.add.f32.msk $0xffff, v25  }
0x1a4: {  	[tilespmem:s10+$0xCF10] =	vst.add.f32.msk $0xffff, v26  }
0x1a5: {  	[tilespmem:s10+$0xCF20] =	vst.add.f32.msk $0xffff, v27  }
0x1a6: {  	[tilespmem:s10+$0xCF30] =	vst.add.f32.msk $0xffff, v28  }
0x1a7: {  	[tilespmem:s10+$0xCF80] =	vst.add.f32.msk $0xffff, v29  }
0x1a8: {  	s4 =	simm.s32 $0x0;
	s14 =	simm.s32 $0x1000;
	[tilespmem:s10+$0xCF90] =	vst.add.f32.msk $0xffff, v30  }
.LBB2_7:
0x1a9: {  	s4 =	sadd.s32 $0x8, s4;
	[tilespmem:s10+$0xCFA0] =	vst.add.f32.msk $0xffff, v0;
	s10 =	sshra.s32 s14, $0x2  }
0x1aa: {  	v0 =	vld [tilespmem:s10+$0x197B0];
	p0 =	slt.u32 s4, $0xC0  }
0x1ab: {  	v1 =	vld [tilespmem:s10+$0x19400]  }
0x1ac: {  	v2 =	vld [tilespmem:s10+$0x19410]  }
0x1ad: {  	v3 =	vld [tilespmem:s10+$0x19420]  }
0x1ae: {  	v4 =	vld [tilespmem:s10+$0x19430]  }
0x1af: {  	[tilespmem:s10+$0xCFB0] =	vst.add.f32.msk $0xffff, v0  }
0x1b0: {  	v5 =	vld [tilespmem:s10+$0x19480]  }
0x1b1: {  	v6 =	vld [tilespmem:s10+$0x19490]  }
0x1b2: {  	v7 =	vld [tilespmem:s10+$0x194A0]  }
0x1b3: {  	v8 =	vld [tilespmem:s10+$0x194B0]  }
0x1b4: {  	v9 =	vld [tilespmem:s10+$0x19500]  }
0x1b5: {  	v10 =	vld [tilespmem:s10+$0x19510]  }
0x1b6: {  	v11 =	vld [tilespmem:s10+$0x19520]  }
0x1b7: {  	v12 =	vld [tilespmem:s10+$0x19530]  }
0x1b8: {  	v13 =	vld [tilespmem:s10+$0x19580]  }
0x1b9: {  	v14 =	vld [tilespmem:s10+$0x19590]  }
0x1ba: {  	v15 =	vld [tilespmem:s10+$0x195A0]  }
0x1bb: {  	v16 =	vld [tilespmem:s10+$0x195B0]  }
0x1bc: {  	v17 =	vld [tilespmem:s10+$0x19600]  }
0x1bd: {  	v18 =	vld [tilespmem:s10+$0x19610]  }
0x1be: {  	v19 =	vld [tilespmem:s10+$0x19620]  }
0x1bf: {  	v20 =	vld [tilespmem:s10+$0x19630]  }
0x1c0: {  	v21 =	vld [tilespmem:s10+$0x19680]  }
0x1c1: {  	v22 =	vld [tilespmem:s10+$0x19690]  }
0x1c2: {  	v23 =	vld [tilespmem:s10+$0x196A0]  }
0x1c3: {  	v24 =	vld [tilespmem:s10+$0x196B0]  }
0x1c4: {  	v25 =	vld [tilespmem:s10+$0x19700]  }
0x1c5: {  	v26 =	vld [tilespmem:s10+$0x19710]  }
0x1c6: {  	v27 =	vld [tilespmem:s10+$0x19720]  }
0x1c7: {  	v28 =	vld [tilespmem:s10+$0x19730]  }
0x1c8: {  	v29 =	vld [tilespmem:s10+$0x19780]  }
0x1c9: {  	v30 =	vld [tilespmem:s10+$0x19790]  }
0x1ca: {  	v0 =	vld [tilespmem:s10+$0x197A0]  }
0x1cb: {  	[tilespmem:s10+$0xCC00] =	vst.add.f32.msk $0xffff, v1  }
0x1cc: {  	[tilespmem:s10+$0xCC10] =	vst.add.f32.msk $0xffff, v2  }
0x1cd: {  	[tilespmem:s10+$0xCC20] =	vst.add.f32.msk $0xffff, v3  }
0x1ce: {  	[tilespmem:s10+$0xCC30] =	vst.add.f32.msk $0xffff, v4  }
0x1cf: {  	[tilespmem:s10+$0xCC80] =	vst.add.f32.msk $0xffff, v5  }
0x1d0: {  	[tilespmem:s10+$0xCC90] =	vst.add.f32.msk $0xffff, v6  }
0x1d1: {  	[tilespmem:s10+$0xCCA0] =	vst.add.f32.msk $0xffff, v7  }
0x1d2: {  	[tilespmem:s10+$0xCCB0] =	vst.add.f32.msk $0xffff, v8  }
0x1d3: {  	[tilespmem:s10+$0xCD00] =	vst.add.f32.msk $0xffff, v9  }
0x1d4: {  	[tilespmem:s10+$0xCD10] =	vst.add.f32.msk $0xffff, v10  }
0x1d5: {  	[tilespmem:s10+$0xCD20] =	vst.add.f32.msk $0xffff, v11  }
0x1d6: {  	[tilespmem:s10+$0xCD30] =	vst.add.f32.msk $0xffff, v12  }
0x1d7: {  	[tilespmem:s10+$0xCD80] =	vst.add.f32.msk $0xffff, v13  }
0x1d8: {  	[tilespmem:s10+$0xCD90] =	vst.add.f32.msk $0xffff, v14  }
0x1d9: {  	[tilespmem:s10+$0xCDA0] =	vst.add.f32.msk $0xffff, v15  }
0x1da: {  	[tilespmem:s10+$0xCDB0] =	vst.add.f32.msk $0xffff, v16  }
0x1db: {  	[tilespmem:s10+$0xCE00] =	vst.add.f32.msk $0xffff, v17  }
0x1dc: {  	[tilespmem:s10+$0xCE10] =	vst.add.f32.msk $0xffff, v18  }
0x1dd: {  	[tilespmem:s10+$0xCE20] =	vst.add.f32.msk $0xffff, v19  }
0x1de: {  	[tilespmem:s10+$0xCE30] =	vst.add.f32.msk $0xffff, v20  }
0x1df: {  	[tilespmem:s10+$0xCE80] =	vst.add.f32.msk $0xffff, v21  }
0x1e0: {  	[tilespmem:s10+$0xCE90] =	vst.add.f32.msk $0xffff, v22  }
0x1e1: {  	[tilespmem:s10+$0xCEA0] =	vst.add.f32.msk $0xffff, v23  }
0x1e2: {  	[tilespmem:s10+$0xCEB0] =	vst.add.f32.msk $0xffff, v24  }
0x1e3: {  	[tilespmem:s10+$0xCF00] =	vst.add.f32.msk $0xffff, v25  }
.Ltmp2:
0x1e4: {  	[tilespmem:s10+$0xCF10] =	vst.add.f32.msk $0xffff, v26;
	(pc) =	sbr.rel @p0 .LBB2_7-.Ltmp2, $4  }
0x1e5: {  	[tilespmem:s10+$0xCF20] =	vst.add.f32.msk $0xffff, v27  }
0x1e6: {  	[tilespmem:s10+$0xCF30] =	vst.add.f32.msk $0xffff, v28  }
0x1e7: {  	[tilespmem:s10+$0xCF80] =	vst.add.f32.msk $0xffff, v29  }
0x1e8: {  	s14 =	sadd.s32 $0x1000, s14;
	[tilespmem:s10+$0xCF90] =	vst.add.f32.msk $0xffff, v30  }
0x1e9: {  	s4 =	sadd.s32 s9, s16  }
0x1ea: {  	s4 =	sshll.u32 s4, $0x4  }
0x1eb: {  	[tilespmem:s10+$0xCFA0] =	vst.add.f32.msk $0xffff, v0;
	s10 =	simm.s32 $0x0;
	s4 =	sadd.s32 s7, s4  }
0x1ec: {  	[hbm4b:s4+s10] =	stream.linear.scatter [tilespmem:s11], [sflag:$0x7], $0x6400, $0x38;
	[tilespmem:$0x1F800] =	vst v63  }
0x1ed: {  	_ =	swait.ge [sflag:s12], $0x6400  }
0x1ee: {  	s14 =	rddreg [dreg:$0xb]  }
0x1ef: {  	s4 =	sadd.s32 s9, s14  }
0x1f0: {  	[sflag:s12] =	ssyncset.done $0x0;
	s4 =	sshrl.u32 s4, $0x3  }
0x1f1: {  	[sflag:s12] =	ssyncadd.s32 $0xFFFF9C00;
	s4 =	sadd.s32 s2, s4  }
0x1f2: {  	[tilespmem:s6], [sflag:$0x9] =	stream.linear.gather [hbm4b:s4+s10], $0xC8, $0x38;
	[tilespmem:$0x1F800] =	vst v63  }
0x1f3: {  	_ =	swait.ge [sflag:s25], $0xC8  }
0x1f4: {  	[sflag:s25] =	ssyncset.done $0x0  }
0x1f5: {  	[sflag:s25] =	ssyncadd.s32 $0xFFFFFF38  }
0x1f6: {  	[tilespmem:s11], [sflag:$0x3] =	stream.indirect.gather [hbm4b:s5+s26], $0x80, s6, s26, $0xb8;
	[tilespmem:$0x1F800] =	vst v63  }
0x1f7: {  	s14 =	simm.s32 $0x10C00;
	s10 =	simm.s32 $0x280  }
0x1f8: {  	[tilespmem:s14], [sflag:$0x3] =	stream.indirect.gather [hbm4b:s5+s29], $0x80, s10, s29, $0xb8;
	[tilespmem:$0x1F800] =	vst v63  }
0x1f9: {  	_ =	swait.ge [sflag:s13], $0x6400  }
0x1fa: {  	[sflag:s13] =	ssyncset.done $0x0  }
0x1fb: {  	s10 =	simm.s32 $0x0;
	[sflag:s13] =	ssyncadd.s32 $0xFFFF9C00  }
0x1fc: {  	v0 =	vld [tilespmem:s10+$0x197B0]  }
0x1fd: {  	v1 =	vld [tilespmem:s10+$0x19400]  }
0x1fe: {  	v2 =	vld [tilespmem:s10+$0x19410]  }
0x1ff: {  	v3 =	vld [tilespmem:s10+$0x19420]  }
0x200: {  	v4 =	vld [tilespmem:s10+$0x19430]  }
0x201: {  	v5 =	vld [tilespmem:s10+$0x19480]  }
0x202: {  	v6 =	vld [tilespmem:s10+$0x19490]  }
0x203: {  	v7 =	vld [tilespmem:s10+$0x194A0]  }
0x204: {  	v8 =	vld [tilespmem:s10+$0x194B0]  }
0x205: {  	v9 =	vld [tilespmem:s10+$0x19500]  }
0x206: {  	v10 =	vld [tilespmem:s10+$0x19510]  }
0x207: {  	v11 =	vld [tilespmem:s10+$0x19520]  }
0x208: {  	v12 =	vld [tilespmem:s10+$0x19530]  }
0x209: {  	v13 =	vld [tilespmem:s10+$0x19580]  }
0x20a: {  	v14 =	vld [tilespmem:s10+$0x19590]  }
0x20b: {  	v15 =	vld [tilespmem:s10+$0x195A0]  }
0x20c: {  	v16 =	vld [tilespmem:s10+$0x195B0]  }
0x20d: {  	v17 =	vld [tilespmem:s10+$0x19600]  }
0x20e: {  	v18 =	vld [tilespmem:s10+$0x19610]  }
0x20f: {  	v19 =	vld [tilespmem:s10+$0x19620]  }
0x210: {  	v20 =	vld [tilespmem:s10+$0x19630]  }
0x211: {  	v21 =	vld [tilespmem:s10+$0x19680]  }
0x212: {  	v22 =	vld [tilespmem:s10+$0x19690]  }
0x213: {  	v23 =	vld [tilespmem:s10+$0x196A0]  }
0x214: {  	v24 =	vld [tilespmem:s10+$0x196B0]  }
0x215: {  	v25 =	vld [tilespmem:s10+$0x19700]  }
0x216: {  	v26 =	vld [tilespmem:s10+$0x19710]  }
0x217: {  	v27 =	vld [tilespmem:s10+$0x19720]  }
0x218: {  	v28 =	vld [tilespmem:s10+$0x19730]  }
0x219: {  	v29 =	vld [tilespmem:s10+$0x19780]  }
0x21a: {  	v30 =	vld [tilespmem:s10+$0x19790]  }
0x21b: {  	[tilespmem:s10+$0x133B0] =	vst.add.f32.msk $0xffff, v0  }
0x21c: {  	v0 =	vld [tilespmem:s10+$0x197A0]  }
0x21d: {  	[tilespmem:s10+$0x13000] =	vst.add.f32.msk $0xffff, v1  }
0x21e: {  	[tilespmem:s10+$0x13010] =	vst.add.f32.msk $0xffff, v2  }
0x21f: {  	[tilespmem:s10+$0x13020] =	vst.add.f32.msk $0xffff, v3  }
0x220: {  	[tilespmem:s10+$0x13030] =	vst.add.f32.msk $0xffff, v4  }
0x221: {  	[tilespmem:s10+$0x13080] =	vst.add.f32.msk $0xffff, v5  }
0x222: {  	[tilespmem:s10+$0x13090] =	vst.add.f32.msk $0xffff, v6  }
0x223: {  	[tilespmem:s10+$0x130A0] =	vst.add.f32.msk $0xffff, v7  }
0x224: {  	[tilespmem:s10+$0x130B0] =	vst.add.f32.msk $0xffff, v8  }
0x225: {  	[tilespmem:s10+$0x13100] =	vst.add.f32.msk $0xffff, v9  }
0x226: {  	[tilespmem:s10+$0x13110] =	vst.add.f32.msk $0xffff, v10  }
0x227: {  	[tilespmem:s10+$0x13120] =	vst.add.f32.msk $0xffff, v11  }
0x228: {  	[tilespmem:s10+$0x13130] =	vst.add.f32.msk $0xffff, v12  }
0x229: {  	[tilespmem:s10+$0x13180] =	vst.add.f32.msk $0xffff, v13  }
0x22a: {  	[tilespmem:s10+$0x13190] =	vst.add.f32.msk $0xffff, v14  }
0x22b: {  	[tilespmem:s10+$0x131A0] =	vst.add.f32.msk $0xffff, v15  }
0x22c: {  	[tilespmem:s10+$0x131B0] =	vst.add.f32.msk $0xffff, v16  }
0x22d: {  	[tilespmem:s10+$0x13200] =	vst.add.f32.msk $0xffff, v17  }
0x22e: {  	[tilespmem:s10+$0x13210] =	vst.add.f32.msk $0xffff, v18  }
0x22f: {  	[tilespmem:s10+$0x13220] =	vst.add.f32.msk $0xffff, v19  }
0x230: {  	[tilespmem:s10+$0x13230] =	vst.add.f32.msk $0xffff, v20  }
0x231: {  	[tilespmem:s10+$0x13280] =	vst.add.f32.msk $0xffff, v21  }
0x232: {  	[tilespmem:s10+$0x13290] =	vst.add.f32.msk $0xffff, v22  }
0x233: {  	[tilespmem:s10+$0x132A0] =	vst.add.f32.msk $0xffff, v23  }
0x234: {  	[tilespmem:s10+$0x132B0] =	vst.add.f32.msk $0xffff, v24  }
0x235: {  	[tilespmem:s10+$0x13300] =	vst.add.f32.msk $0xffff, v25  }
0x236: {  	[tilespmem:s10+$0x13310] =	vst.add.f32.msk $0xffff, v26  }
0x237: {  	[tilespmem:s10+$0x13320] =	vst.add.f32.msk $0xffff, v27  }
0x238: {  	[tilespmem:s10+$0x13330] =	vst.add.f32.msk $0xffff, v28  }
0x239: {  	[tilespmem:s10+$0x13380] =	vst.add.f32.msk $0xffff, v29  }
0x23a: {  	s4 =	simm.s32 $0x0;
	s14 =	simm.s32 $0x1000;
	[tilespmem:s10+$0x13390] =	vst.add.f32.msk $0xffff, v30  }
.LBB2_9:
0x23b: {  	s4 =	sadd.s32 $0x8, s4;
	[tilespmem:s10+$0x133A0] =	vst.add.f32.msk $0xffff, v0;
	s10 =	sshra.s32 s14, $0x2  }
0x23c: {  	v0 =	vld [tilespmem:s10+$0x197B0];
	p0 =	slt.u32 s4, $0xC0  }
0x23d: {  	v1 =	vld [tilespmem:s10+$0x19400]  }
0x23e: {  	v2 =	vld [tilespmem:s10+$0x19410]  }
0x23f: {  	v3 =	vld [tilespmem:s10+$0x19420]  }
0x240: {  	v4 =	vld [tilespmem:s10+$0x19430]  }
0x241: {  	[tilespmem:s10+$0x133B0] =	vst.add.f32.msk $0xffff, v0  }
0x242: {  	v5 =	vld [tilespmem:s10+$0x19480]  }
0x243: {  	v6 =	vld [tilespmem:s10+$0x19490]  }
0x244: {  	v7 =	vld [tilespmem:s10+$0x194A0]  }
0x245: {  	v8 =	vld [tilespmem:s10+$0x194B0]  }
0x246: {  	v9 =	vld [tilespmem:s10+$0x19500]  }
0x247: {  	v10 =	vld [tilespmem:s10+$0x19510]  }
0x248: {  	v11 =	vld [tilespmem:s10+$0x19520]  }
0x249: {  	v12 =	vld [tilespmem:s10+$0x19530]  }
0x24a: {  	v13 =	vld [tilespmem:s10+$0x19580]  }
0x24b: {  	v14 =	vld [tilespmem:s10+$0x19590]  }
0x24c: {  	v15 =	vld [tilespmem:s10+$0x195A0]  }
0x24d: {  	v16 =	vld [tilespmem:s10+$0x195B0]  }
0x24e: {  	v17 =	vld [tilespmem:s10+$0x19600]  }
0x24f: {  	v18 =	vld [tilespmem:s10+$0x19610]  }
0x250: {  	v19 =	vld [tilespmem:s10+$0x19620]  }
0x251: {  	v20 =	vld [tilespmem:s10+$0x19630]  }
0x252: {  	v21 =	vld [tilespmem:s10+$0x19680]  }
0x253: {  	v22 =	vld [tilespmem:s10+$0x19690]  }
0x254: {  	v23 =	vld [tilespmem:s10+$0x196A0]  }
0x255: {  	v24 =	vld [tilespmem:s10+$0x196B0]  }
0x256: {  	v25 =	vld [tilespmem:s10+$0x19700]  }
0x257: {  	v26 =	vld [tilespmem:s10+$0x19710]  }
0x258: {  	v27 =	vld [tilespmem:s10+$0x19720]  }
0x259: {  	v28 =	vld [tilespmem:s10+$0x19730]  }
0x25a: {  	v29 =	vld [tilespmem:s10+$0x19780]  }
0x25b: {  	v30 =	vld [tilespmem:s10+$0x19790]  }
0x25c: {  	v0 =	vld [tilespmem:s10+$0x197A0]  }
0x25d: {  	[tilespmem:s10+$0x13000] =	vst.add.f32.msk $0xffff, v1  }
0x25e: {  	[tilespmem:s10+$0x13010] =	vst.add.f32.msk $0xffff, v2  }
0x25f: {  	[tilespmem:s10+$0x13020] =	vst.add.f32.msk $0xffff, v3  }
0x260: {  	[tilespmem:s10+$0x13030] =	vst.add.f32.msk $0xffff, v4  }
0x261: {  	[tilespmem:s10+$0x13080] =	vst.add.f32.msk $0xffff, v5  }
0x262: {  	[tilespmem:s10+$0x13090] =	vst.add.f32.msk $0xffff, v6  }
0x263: {  	[tilespmem:s10+$0x130A0] =	vst.add.f32.msk $0xffff, v7  }
0x264: {  	[tilespmem:s10+$0x130B0] =	vst.add.f32.msk $0xffff, v8  }
0x265: {  	[tilespmem:s10+$0x13100] =	vst.add.f32.msk $0xffff, v9  }
0x266: {  	[tilespmem:s10+$0x13110] =	vst.add.f32.msk $0xffff, v10  }
0x267: {  	[tilespmem:s10+$0x13120] =	vst.add.f32.msk $0xffff, v11  }
0x268: {  	[tilespmem:s10+$0x13130] =	vst.add.f32.msk $0xffff, v12  }
0x269: {  	[tilespmem:s10+$0x13180] =	vst.add.f32.msk $0xffff, v13  }
0x26a: {  	[tilespmem:s10+$0x13190] =	vst.add.f32.msk $0xffff, v14  }
0x26b: {  	[tilespmem:s10+$0x131A0] =	vst.add.f32.msk $0xffff, v15  }
0x26c: {  	[tilespmem:s10+$0x131B0] =	vst.add.f32.msk $0xffff, v16  }
0x26d: {  	[tilespmem:s10+$0x13200] =	vst.add.f32.msk $0xffff, v17  }
0x26e: {  	[tilespmem:s10+$0x13210] =	vst.add.f32.msk $0xffff, v18  }
0x26f: {  	[tilespmem:s10+$0x13220] =	vst.add.f32.msk $0xffff, v19  }
0x270: {  	[tilespmem:s10+$0x13230] =	vst.add.f32.msk $0xffff, v20  }
0x271: {  	[tilespmem:s10+$0x13280] =	vst.add.f32.msk $0xffff, v21  }
0x272: {  	[tilespmem:s10+$0x13290] =	vst.add.f32.msk $0xffff, v22  }
0x273: {  	[tilespmem:s10+$0x132A0] =	vst.add.f32.msk $0xffff, v23  }
0x274: {  	[tilespmem:s10+$0x132B0] =	vst.add.f32.msk $0xffff, v24  }
0x275: {  	[tilespmem:s10+$0x13300] =	vst.add.f32.msk $0xffff, v25  }
.Ltmp3:
0x276: {  	[tilespmem:s10+$0x13310] =	vst.add.f32.msk $0xffff, v26;
	(pc) =	sbr.rel @p0 .LBB2_9-.Ltmp3, $4  }
0x277: {  	[tilespmem:s10+$0x13320] =	vst.add.f32.msk $0xffff, v27  }
0x278: {  	[tilespmem:s10+$0x13330] =	vst.add.f32.msk $0xffff, v28  }
0x279: {  	[tilespmem:s10+$0x13380] =	vst.add.f32.msk $0xffff, v29  }
0x27a: {  	s14 =	sadd.s32 $0x1000, s14;
	[tilespmem:s10+$0x13390] =	vst.add.f32.msk $0xffff, v30  }
0x27b: {  	s4 =	sadd.s32 s9, s17  }
0x27c: {  	s4 =	sshll.u32 s4, $0x4  }
0x27d: {  	[tilespmem:s10+$0x133A0] =	vst.add.f32.msk $0xffff, v0;
	s4 =	sadd.s32 s7, s4  }
0x27e: {  	[hbm4b:s4+s3] =	stream.linear.scatter [tilespmem:s20], [sflag:$0x8], $0x6400, $0x38;
	[tilespmem:$0x1F800] =	vst v63  }
0x27f: {  	s9 =	sadd.s32 s9, s18;
	_ =	swait.ge [sflag:s21], $0x6400  }
0x280: {  	s4 =	sshrl.u32 s9, $0x3;
	[sflag:s21] =	ssyncset.done $0x0  }
0x281: {  	s22 =	sadd.s32 $0x1, s22;
	s4 =	sadd.s32 s2, s4;
	[sflag:s21] =	ssyncadd.s32 $0xFFFF9C00  }
0x282: {  	[tilespmem:s19], [sflag:$0x9] =	stream.linear.gather [hbm4b:s4+s3], $0xC8, $0x38;
	[tilespmem:$0x1F800] =	vst v63  }
0x283: {  	p0 =	sne.s32 s22, $0x7;
	_ =	swait.ge [sflag:s25], $0xC8  }
.Ltmp4:
0x284: {  	[sflag:s25] =	ssyncset.done $0x0;
	(pc) =	sbr.rel @p0 .LBB2_2-.Ltmp4, $4  }
0x285: {  	[sflag:s25] =	ssyncadd.s32 $0xFFFFFF38  }
0x286: {  	[tilespmem:s20], [sflag:$0x4] =	stream.indirect.gather [hbm4b:s5+s26], $0x80, s19, s26, $0xb8;
	[tilespmem:$0x1F800] =	vst v63  }
0x287: {  	s10 =	simm.s32 $0x380;
	s14 =	simm.s32 $0x17000  }
0x288: {  	[tilespmem:s14], [sflag:$0x4] =	stream.indirect.gather [hbm4b:s5+s29], $0x80, s10, s29, $0xb8;
	[tilespmem:$0x1F800] =	vst v63  }
0x289: {  	_ =	swait.ge [sflag:s23], $0x6400  }
0x28a: {  	[sflag:s23] =	ssyncset.done $0x0  }
0x28b: {  	s9 =	simm.s32 $0x0;
	[sflag:s23] =	ssyncadd.s32 $0xFFFF9C00  }
0x28c: {  	v0 =	vld [tilespmem:s9+$0x197B0]  }
0x28d: {  	v1 =	vld [tilespmem:s9+$0x19400]  }
0x28e: {  	v2 =	vld [tilespmem:s9+$0x19410]  }
0x28f: {  	v3 =	vld [tilespmem:s9+$0x19420]  }
0x290: {  	v4 =	vld [tilespmem:s9+$0x19430]  }
0x291: {  	v5 =	vld [tilespmem:s9+$0x19480]  }
0x292: {  	v6 =	vld [tilespmem:s9+$0x19490]  }
0x293: {  	v7 =	vld [tilespmem:s9+$0x194A0]  }
0x294: {  	v8 =	vld [tilespmem:s9+$0x194B0]  }
0x295: {  	v9 =	vld [tilespmem:s9+$0x19500]  }
0x296: {  	v10 =	vld [tilespmem:s9+$0x19510]  }
0x297: {  	v11 =	vld [tilespmem:s9+$0x19520]  }
0x298: {  	v12 =	vld [tilespmem:s9+$0x19530]  }
0x299: {  	v13 =	vld [tilespmem:s9+$0x19580]  }
0x29a: {  	v14 =	vld [tilespmem:s9+$0x19590]  }
0x29b: {  	v15 =	vld [tilespmem:s9+$0x195A0]  }
0x29c: {  	v16 =	vld [tilespmem:s9+$0x195B0]  }
0x29d: {  	v17 =	vld [tilespmem:s9+$0x19600]  }
0x29e: {  	v18 =	vld [tilespmem:s9+$0x19610]  }
0x29f: {  	v19 =	vld [tilespmem:s9+$0x19620]  }
0x2a0: {  	v20 =	vld [tilespmem:s9+$0x19630]  }
0x2a1: {  	v21 =	vld [tilespmem:s9+$0x19680]  }
0x2a2: {  	v22 =	vld [tilespmem:s9+$0x19690]  }
0x2a3: {  	v23 =	vld [tilespmem:s9+$0x196A0]  }
0x2a4: {  	v24 =	vld [tilespmem:s9+$0x196B0]  }
0x2a5: {  	v25 =	vld [tilespmem:s9+$0x19700]  }
0x2a6: {  	v26 =	vld [tilespmem:s9+$0x19710]  }
0x2a7: {  	v27 =	vld [tilespmem:s9+$0x19720]  }
0x2a8: {  	v28 =	vld [tilespmem:s9+$0x19730]  }
0x2a9: {  	v29 =	vld [tilespmem:s9+$0x19780]  }
0x2aa: {  	v30 =	vld [tilespmem:s9+$0x19790]  }
0x2ab: {  	[tilespmem:s9+$0x7B0] =	vst.add.f32.msk $0xffff, v0  }
0x2ac: {  	v0 =	vld [tilespmem:s9+$0x197A0]  }
0x2ad: {  	[tilespmem:s9+$0x400] =	vst.add.f32.msk $0xffff, v1  }
0x2ae: {  	[tilespmem:s9+$0x410] =	vst.add.f32.msk $0xffff, v2  }
0x2af: {  	[tilespmem:s9+$0x420] =	vst.add.f32.msk $0xffff, v3  }
0x2b0: {  	[tilespmem:s9+$0x430] =	vst.add.f32.msk $0xffff, v4  }
0x2b1: {  	[tilespmem:s9+$0x480] =	vst.add.f32.msk $0xffff, v5  }
0x2b2: {  	[tilespmem:s9+$0x490] =	vst.add.f32.msk $0xffff, v6  }
0x2b3: {  	[tilespmem:s9+$0x4A0] =	vst.add.f32.msk $0xffff, v7  }
0x2b4: {  	[tilespmem:s9+$0x4B0] =	vst.add.f32.msk $0xffff, v8  }
0x2b5: {  	[tilespmem:s9+$0x500] =	vst.add.f32.msk $0xffff, v9  }
0x2b6: {  	[tilespmem:s9+$0x510] =	vst.add.f32.msk $0xffff, v10  }
0x2b7: {  	[tilespmem:s9+$0x520] =	vst.add.f32.msk $0xffff, v11  }
0x2b8: {  	[tilespmem:s9+$0x530] =	vst.add.f32.msk $0xffff, v12  }
0x2b9: {  	[tilespmem:s9+$0x580] =	vst.add.f32.msk $0xffff, v13  }
0x2ba: {  	[tilespmem:s9+$0x590] =	vst.add.f32.msk $0xffff, v14  }
0x2bb: {  	[tilespmem:s9+$0x5A0] =	vst.add.f32.msk $0xffff, v15  }
0x2bc: {  	[tilespmem:s9+$0x5B0] =	vst.add.f32.msk $0xffff, v16  }
0x2bd: {  	[tilespmem:s9+$0x600] =	vst.add.f32.msk $0xffff, v17  }
0x2be: {  	[tilespmem:s9+$0x610] =	vst.add.f32.msk $0xffff, v18  }
0x2bf: {  	[tilespmem:s9+$0x620] =	vst.add.f32.msk $0xffff, v19  }
0x2c0: {  	[tilespmem:s9+$0x630] =	vst.add.f32.msk $0xffff, v20  }
0x2c1: {  	[tilespmem:s9+$0x680] =	vst.add.f32.msk $0xffff, v21  }
0x2c2: {  	[tilespmem:s9+$0x690] =	vst.add.f32.msk $0xffff, v22  }
0x2c3: {  	[tilespmem:s9+$0x6A0] =	vst.add.f32.msk $0xffff, v23  }
0x2c4: {  	[tilespmem:s9+$0x6B0] =	vst.add.f32.msk $0xffff, v24  }
0x2c5: {  	[tilespmem:s9+$0x700] =	vst.add.f32.msk $0xffff, v25  }
0x2c6: {  	[tilespmem:s9+$0x710] =	vst.add.f32.msk $0xffff, v26  }
0x2c7: {  	[tilespmem:s9+$0x720] =	vst.add.f32.msk $0xffff, v27  }
0x2c8: {  	[tilespmem:s9+$0x730] =	vst.add.f32.msk $0xffff, v28  }
0x2c9: {  	[tilespmem:s9+$0x780] =	vst.add.f32.msk $0xffff, v29  }
0x2ca: {  	s4 =	simm.s32 $0x0;
	s10 =	simm.s32 $0x1000;
	[tilespmem:s9+$0x790] =	vst.add.f32.msk $0xffff, v30  }
.LBB2_12:
0x2cb: {  	s4 =	sadd.s32 $0x8, s4;
	[tilespmem:s9+$0x7A0] =	vst.add.f32.msk $0xffff, v0;
	s9 =	sshra.s32 s10, $0x2  }
0x2cc: {  	v0 =	vld [tilespmem:s9+$0x197B0];
	p0 =	slt.u32 s4, $0xC0  }
0x2cd: {  	v1 =	vld [tilespmem:s9+$0x19400]  }
0x2ce: {  	v2 =	vld [tilespmem:s9+$0x19410]  }
0x2cf: {  	v3 =	vld [tilespmem:s9+$0x19420]  }
0x2d0: {  	v4 =	vld [tilespmem:s9+$0x19430]  }
0x2d1: {  	[tilespmem:s9+$0x7B0] =	vst.add.f32.msk $0xffff, v0  }
0x2d2: {  	v5 =	vld [tilespmem:s9+$0x19480]  }
0x2d3: {  	v6 =	vld [tilespmem:s9+$0x19490]  }
0x2d4: {  	v7 =	vld [tilespmem:s9+$0x194A0]  }
0x2d5: {  	v8 =	vld [tilespmem:s9+$0x194B0]  }
0x2d6: {  	v9 =	vld [tilespmem:s9+$0x19500]  }
0x2d7: {  	v10 =	vld [tilespmem:s9+$0x19510]  }
0x2d8: {  	v11 =	vld [tilespmem:s9+$0x19520]  }
0x2d9: {  	v12 =	vld [tilespmem:s9+$0x19530]  }
0x2da: {  	v13 =	vld [tilespmem:s9+$0x19580]  }
0x2db: {  	v14 =	vld [tilespmem:s9+$0x19590]  }
0x2dc: {  	v15 =	vld [tilespmem:s9+$0x195A0]  }
0x2dd: {  	v16 =	vld [tilespmem:s9+$0x195B0]  }
0x2de: {  	v17 =	vld [tilespmem:s9+$0x19600]  }
0x2df: {  	v18 =	vld [tilespmem:s9+$0x19610]  }
0x2e0: {  	v19 =	vld [tilespmem:s9+$0x19620]  }
0x2e1: {  	v20 =	vld [tilespmem:s9+$0x19630]  }
0x2e2: {  	v21 =	vld [tilespmem:s9+$0x19680]  }
0x2e3: {  	v22 =	vld [tilespmem:s9+$0x19690]  }
0x2e4: {  	v23 =	vld [tilespmem:s9+$0x196A0]  }
0x2e5: {  	v24 =	vld [tilespmem:s9+$0x196B0]  }
0x2e6: {  	v25 =	vld [tilespmem:s9+$0x19700]  }
0x2e7: {  	v26 =	vld [tilespmem:s9+$0x19710]  }
0x2e8: {  	v27 =	vld [tilespmem:s9+$0x19720]  }
0x2e9: {  	v28 =	vld [tilespmem:s9+$0x19730]  }
0x2ea: {  	v29 =	vld [tilespmem:s9+$0x19780]  }
0x2eb: {  	v30 =	vld [tilespmem:s9+$0x19790]  }
0x2ec: {  	v0 =	vld [tilespmem:s9+$0x197A0]  }
0x2ed: {  	[tilespmem:s9+$0x400] =	vst.add.f32.msk $0xffff, v1  }
0x2ee: {  	[tilespmem:s9+$0x410] =	vst.add.f32.msk $0xffff, v2  }
0x2ef: {  	[tilespmem:s9+$0x420] =	vst.add.f32.msk $0xffff, v3  }
0x2f0: {  	[tilespmem:s9+$0x430] =	vst.add.f32.msk $0xffff, v4  }
0x2f1: {  	[tilespmem:s9+$0x480] =	vst.add.f32.msk $0xffff, v5  }
0x2f2: {  	[tilespmem:s9+$0x490] =	vst.add.f32.msk $0xffff, v6  }
0x2f3: {  	[tilespmem:s9+$0x4A0] =	vst.add.f32.msk $0xffff, v7  }
0x2f4: {  	[tilespmem:s9+$0x4B0] =	vst.add.f32.msk $0xffff, v8  }
0x2f5: {  	[tilespmem:s9+$0x500] =	vst.add.f32.msk $0xffff, v9  }
0x2f6: {  	[tilespmem:s9+$0x510] =	vst.add.f32.msk $0xffff, v10  }
0x2f7: {  	[tilespmem:s9+$0x520] =	vst.add.f32.msk $0xffff, v11  }
0x2f8: {  	[tilespmem:s9+$0x530] =	vst.add.f32.msk $0xffff, v12  }
0x2f9: {  	[tilespmem:s9+$0x580] =	vst.add.f32.msk $0xffff, v13  }
0x2fa: {  	[tilespmem:s9+$0x590] =	vst.add.f32.msk $0xffff, v14  }
0x2fb: {  	[tilespmem:s9+$0x5A0] =	vst.add.f32.msk $0xffff, v15  }
0x2fc: {  	[tilespmem:s9+$0x5B0] =	vst.add.f32.msk $0xffff, v16  }
0x2fd: {  	[tilespmem:s9+$0x600] =	vst.add.f32.msk $0xffff, v17  }
0x2fe: {  	[tilespmem:s9+$0x610] =	vst.add.f32.msk $0xffff, v18  }
0x2ff: {  	[tilespmem:s9+$0x620] =	vst.add.f32.msk $0xffff, v19  }
0x300: {  	[tilespmem:s9+$0x630] =	vst.add.f32.msk $0xffff, v20  }
0x301: {  	[tilespmem:s9+$0x680] =	vst.add.f32.msk $0xffff, v21  }
0x302: {  	[tilespmem:s9+$0x690] =	vst.add.f32.msk $0xffff, v22  }
0x303: {  	[tilespmem:s9+$0x6A0] =	vst.add.f32.msk $0xffff, v23  }
0x304: {  	[tilespmem:s9+$0x6B0] =	vst.add.f32.msk $0xffff, v24  }
0x305: {  	[tilespmem:s9+$0x700] =	vst.add.f32.msk $0xffff, v25  }
.Ltmp5:
0x306: {  	[tilespmem:s9+$0x710] =	vst.add.f32.msk $0xffff, v26;
	(pc) =	sbr.rel @p0 .LBB2_12-.Ltmp5, $4  }
0x307: {  	[tilespmem:s9+$0x720] =	vst.add.f32.msk $0xffff, v27  }
0x308: {  	[tilespmem:s9+$0x730] =	vst.add.f32.msk $0xffff, v28  }
0x309: {  	[tilespmem:s9+$0x780] =	vst.add.f32.msk $0xffff, v29  }
0x30a: {  	s10 =	sadd.s32 $0x1000, s10;
	[tilespmem:s9+$0x790] =	vst.add.f32.msk $0xffff, v30  }
0x30b: {  	[tilespmem:s9+$0x7A0] =	vst.add.f32.msk $0xffff, v0  }
0x30c: {  	s4 =	simm.s32 $0x0;
	s9 =	rddreg [dreg:$0xc]  }
0x30d: {  	[hbm4b:s9+s4] =	stream.linear.scatter [tilespmem:s28], [sflag:$0x5], $0x6400, $0x38;
	[tilespmem:$0x1F800] =	vst v63  }
0x30e: {  	_ =	swait.ge [sflag:s30], $0x6400  }
0x30f: {  	[sflag:s30] =	ssyncset.done $0x0  }
0x310: {  	s9 =	simm.s32 $0x0;
	[sflag:s30] =	ssyncadd.s32 $0xFFFF9C00  }
0x311: {  	v0 =	vld [tilespmem:s9+$0x197B0]  }
0x312: {  	v1 =	vld [tilespmem:s9+$0x19400]  }
0x313: {  	v2 =	vld [tilespmem:s9+$0x19410]  }
0x314: {  	v3 =	vld [tilespmem:s9+$0x19420]  }
0x315: {  	v4 =	vld [tilespmem:s9+$0x19430]  }
0x316: {  	v5 =	vld [tilespmem:s9+$0x19480]  }
0x317: {  	v6 =	vld [tilespmem:s9+$0x19490]  }
0x318: {  	v7 =	vld [tilespmem:s9+$0x194A0]  }
0x319: {  	v8 =	vld [tilespmem:s9+$0x194B0]  }
0x31a: {  	v9 =	vld [tilespmem:s9+$0x19500]  }
0x31b: {  	v10 =	vld [tilespmem:s9+$0x19510]  }
0x31c: {  	v11 =	vld [tilespmem:s9+$0x19520]  }
0x31d: {  	v12 =	vld [tilespmem:s9+$0x19530]  }
0x31e: {  	v13 =	vld [tilespmem:s9+$0x19580]  }
0x31f: {  	v14 =	vld [tilespmem:s9+$0x19590]  }
0x320: {  	v15 =	vld [tilespmem:s9+$0x195A0]  }
0x321: {  	v16 =	vld [tilespmem:s9+$0x195B0]  }
0x322: {  	v17 =	vld [tilespmem:s9+$0x19600]  }
0x323: {  	v18 =	vld [tilespmem:s9+$0x19610]  }
0x324: {  	v19 =	vld [tilespmem:s9+$0x19620]  }
0x325: {  	v20 =	vld [tilespmem:s9+$0x19630]  }
0x326: {  	v21 =	vld [tilespmem:s9+$0x19680]  }
0x327: {  	v22 =	vld [tilespmem:s9+$0x19690]  }
0x328: {  	v23 =	vld [tilespmem:s9+$0x196A0]  }
0x329: {  	v24 =	vld [tilespmem:s9+$0x196B0]  }
0x32a: {  	v25 =	vld [tilespmem:s9+$0x19700]  }
0x32b: {  	v26 =	vld [tilespmem:s9+$0x19710]  }
0x32c: {  	v27 =	vld [tilespmem:s9+$0x19720]  }
0x32d: {  	v28 =	vld [tilespmem:s9+$0x19730]  }
0x32e: {  	v29 =	vld [tilespmem:s9+$0x19780]  }
0x32f: {  	v30 =	vld [tilespmem:s9+$0x19790]  }
0x330: {  	[tilespmem:s9+$0x6BB0] =	vst.add.f32.msk $0xffff, v0  }
0x331: {  	v0 =	vld [tilespmem:s9+$0x197A0]  }
0x332: {  	[tilespmem:s9+$0x6800] =	vst.add.f32.msk $0xffff, v1  }
0x333: {  	[tilespmem:s9+$0x6810] =	vst.add.f32.msk $0xffff, v2  }
0x334: {  	[tilespmem:s9+$0x6820] =	vst.add.f32.msk $0xffff, v3  }
0x335: {  	[tilespmem:s9+$0x6830] =	vst.add.f32.msk $0xffff, v4  }
0x336: {  	[tilespmem:s9+$0x6880] =	vst.add.f32.msk $0xffff, v5  }
0x337: {  	[tilespmem:s9+$0x6890] =	vst.add.f32.msk $0xffff, v6  }
0x338: {  	[tilespmem:s9+$0x68A0] =	vst.add.f32.msk $0xffff, v7  }
0x339: {  	[tilespmem:s9+$0x68B0] =	vst.add.f32.msk $0xffff, v8  }
0x33a: {  	[tilespmem:s9+$0x6900] =	vst.add.f32.msk $0xffff, v9  }
0x33b: {  	[tilespmem:s9+$0x6910] =	vst.add.f32.msk $0xffff, v10  }
0x33c: {  	[tilespmem:s9+$0x6920] =	vst.add.f32.msk $0xffff, v11  }
0x33d: {  	[tilespmem:s9+$0x6930] =	vst.add.f32.msk $0xffff, v12  }
0x33e: {  	[tilespmem:s9+$0x6980] =	vst.add.f32.msk $0xffff, v13  }
0x33f: {  	[tilespmem:s9+$0x6990] =	vst.add.f32.msk $0xffff, v14  }
0x340: {  	[tilespmem:s9+$0x69A0] =	vst.add.f32.msk $0xffff, v15  }
0x341: {  	[tilespmem:s9+$0x69B0] =	vst.add.f32.msk $0xffff, v16  }
0x342: {  	[tilespmem:s9+$0x6A00] =	vst.add.f32.msk $0xffff, v17  }
0x343: {  	[tilespmem:s9+$0x6A10] =	vst.add.f32.msk $0xffff, v18  }
0x344: {  	[tilespmem:s9+$0x6A20] =	vst.add.f32.msk $0xffff, v19  }
0x345: {  	[tilespmem:s9+$0x6A30] =	vst.add.f32.msk $0xffff, v20  }
0x346: {  	[tilespmem:s9+$0x6A80] =	vst.add.f32.msk $0xffff, v21  }
0x347: {  	[tilespmem:s9+$0x6A90] =	vst.add.f32.msk $0xffff, v22  }
0x348: {  	[tilespmem:s9+$0x6AA0] =	vst.add.f32.msk $0xffff, v23  }
0x349: {  	[tilespmem:s9+$0x6AB0] =	vst.add.f32.msk $0xffff, v24  }
0x34a: {  	[tilespmem:s9+$0x6B00] =	vst.add.f32.msk $0xffff, v25  }
0x34b: {  	[tilespmem:s9+$0x6B10] =	vst.add.f32.msk $0xffff, v26  }
0x34c: {  	[tilespmem:s9+$0x6B20] =	vst.add.f32.msk $0xffff, v27  }
0x34d: {  	[tilespmem:s9+$0x6B30] =	vst.add.f32.msk $0xffff, v28  }
0x34e: {  	[tilespmem:s9+$0x6B80] =	vst.add.f32.msk $0xffff, v29  }
0x34f: {  	s10 =	simm.s32 $0x1000;
	s4 =	simm.s32 $0x0;
	[tilespmem:s9+$0x6B90] =	vst.add.f32.msk $0xffff, v30  }
.LBB2_14:
0x350: {  	s4 =	sadd.s32 $0x8, s4;
	[tilespmem:s9+$0x6BA0] =	vst.add.f32.msk $0xffff, v0;
	s9 =	sshra.s32 s10, $0x2  }
0x351: {  	v0 =	vld [tilespmem:s9+$0x197B0];
	p0 =	slt.u32 s4, $0xC0  }
0x352: {  	v1 =	vld [tilespmem:s9+$0x19400]  }
0x353: {  	v2 =	vld [tilespmem:s9+$0x19410]  }
0x354: {  	v3 =	vld [tilespmem:s9+$0x19420]  }
0x355: {  	v4 =	vld [tilespmem:s9+$0x19430]  }
0x356: {  	[tilespmem:s9+$0x6BB0] =	vst.add.f32.msk $0xffff, v0  }
0x357: {  	v5 =	vld [tilespmem:s9+$0x19480]  }
0x358: {  	v6 =	vld [tilespmem:s9+$0x19490]  }
0x359: {  	v7 =	vld [tilespmem:s9+$0x194A0]  }
0x35a: {  	v8 =	vld [tilespmem:s9+$0x194B0]  }
0x35b: {  	v9 =	vld [tilespmem:s9+$0x19500]  }
0x35c: {  	v10 =	vld [tilespmem:s9+$0x19510]  }
0x35d: {  	v11 =	vld [tilespmem:s9+$0x19520]  }
0x35e: {  	v12 =	vld [tilespmem:s9+$0x19530]  }
0x35f: {  	v13 =	vld [tilespmem:s9+$0x19580]  }
0x360: {  	v14 =	vld [tilespmem:s9+$0x19590]  }
0x361: {  	v15 =	vld [tilespmem:s9+$0x195A0]  }
0x362: {  	v16 =	vld [tilespmem:s9+$0x195B0]  }
0x363: {  	v17 =	vld [tilespmem:s9+$0x19600]  }
0x364: {  	v18 =	vld [tilespmem:s9+$0x19610]  }
0x365: {  	v19 =	vld [tilespmem:s9+$0x19620]  }
0x366: {  	v20 =	vld [tilespmem:s9+$0x19630]  }
0x367: {  	v21 =	vld [tilespmem:s9+$0x19680]  }
0x368: {  	v22 =	vld [tilespmem:s9+$0x19690]  }
0x369: {  	v23 =	vld [tilespmem:s9+$0x196A0]  }
0x36a: {  	v24 =	vld [tilespmem:s9+$0x196B0]  }
0x36b: {  	v25 =	vld [tilespmem:s9+$0x19700]  }
0x36c: {  	v26 =	vld [tilespmem:s9+$0x19710]  }
0x36d: {  	v27 =	vld [tilespmem:s9+$0x19720]  }
0x36e: {  	v28 =	vld [tilespmem:s9+$0x19730]  }
0x36f: {  	v29 =	vld [tilespmem:s9+$0x19780]  }
0x370: {  	v30 =	vld [tilespmem:s9+$0x19790]  }
0x371: {  	v0 =	vld [tilespmem:s9+$0x197A0]  }
0x372: {  	[tilespmem:s9+$0x6800] =	vst.add.f32.msk $0xffff, v1  }
0x373: {  	[tilespmem:s9+$0x6810] =	vst.add.f32.msk $0xffff, v2  }
0x374: {  	[tilespmem:s9+$0x6820] =	vst.add.f32.msk $0xffff, v3  }
0x375: {  	[tilespmem:s9+$0x6830] =	vst.add.f32.msk $0xffff, v4  }
0x376: {  	[tilespmem:s9+$0x6880] =	vst.add.f32.msk $0xffff, v5  }
0x377: {  	[tilespmem:s9+$0x6890] =	vst.add.f32.msk $0xffff, v6  }
0x378: {  	[tilespmem:s9+$0x68A0] =	vst.add.f32.msk $0xffff, v7  }
0x379: {  	[tilespmem:s9+$0x68B0] =	vst.add.f32.msk $0xffff, v8  }
0x37a: {  	[tilespmem:s9+$0x6900] =	vst.add.f32.msk $0xffff, v9  }
0x37b: {  	[tilespmem:s9+$0x6910] =	vst.add.f32.msk $0xffff, v10  }
0x37c: {  	[tilespmem:s9+$0x6920] =	vst.add.f32.msk $0xffff, v11  }
0x37d: {  	[tilespmem:s9+$0x6930] =	vst.add.f32.msk $0xffff, v12  }
0x37e: {  	[tilespmem:s9+$0x6980] =	vst.add.f32.msk $0xffff, v13  }
0x37f: {  	[tilespmem:s9+$0x6990] =	vst.add.f32.msk $0xffff, v14  }
0x380: {  	[tilespmem:s9+$0x69A0] =	vst.add.f32.msk $0xffff, v15  }
0x381: {  	[tilespmem:s9+$0x69B0] =	vst.add.f32.msk $0xffff, v16  }
0x382: {  	[tilespmem:s9+$0x6A00] =	vst.add.f32.msk $0xffff, v17  }
0x383: {  	[tilespmem:s9+$0x6A10] =	vst.add.f32.msk $0xffff, v18  }
0x384: {  	[tilespmem:s9+$0x6A20] =	vst.add.f32.msk $0xffff, v19  }
0x385: {  	[tilespmem:s9+$0x6A30] =	vst.add.f32.msk $0xffff, v20  }
0x386: {  	[tilespmem:s9+$0x6A80] =	vst.add.f32.msk $0xffff, v21  }
0x387: {  	[tilespmem:s9+$0x6A90] =	vst.add.f32.msk $0xffff, v22  }
0x388: {  	[tilespmem:s9+$0x6AA0] =	vst.add.f32.msk $0xffff, v23  }
0x389: {  	[tilespmem:s9+$0x6AB0] =	vst.add.f32.msk $0xffff, v24  }
0x38a: {  	[tilespmem:s9+$0x6B00] =	vst.add.f32.msk $0xffff, v25  }
.Ltmp6:
0x38b: {  	[tilespmem:s9+$0x6B10] =	vst.add.f32.msk $0xffff, v26;
	(pc) =	sbr.rel @p0 .LBB2_14-.Ltmp6, $4  }
0x38c: {  	[tilespmem:s9+$0x6B20] =	vst.add.f32.msk $0xffff, v27  }
0x38d: {  	[tilespmem:s9+$0x6B30] =	vst.add.f32.msk $0xffff, v28  }
0x38e: {  	[tilespmem:s9+$0x6B80] =	vst.add.f32.msk $0xffff, v29  }
0x38f: {  	s10 =	sadd.s32 $0x1000, s10;
	[tilespmem:s9+$0x6B90] =	vst.add.f32.msk $0xffff, v30  }
0x390: {  	[tilespmem:s9+$0x6BA0] =	vst.add.f32.msk $0xffff, v0  }
0x391: {  	s4 =	simm.s32 $0x0;
	s9 =	rddreg [dreg:$0xd]  }
0x392: {  	[hbm4b:s9+s4] =	stream.linear.scatter [tilespmem:s0], [sflag:$0x6], $0x6400, $0x38;
	[tilespmem:$0x1F800] =	vst v63  }
0x393: {  	_ =	swait.ge [sflag:s24], $0x6400  }
0x394: {  	[sflag:s24] =	ssyncset.done $0x0  }
0x395: {  	s9 =	simm.s32 $0x0;
	[sflag:s24] =	ssyncadd.s32 $0xFFFF9C00  }
0x396: {  	v0 =	vld [tilespmem:s9+$0x197B0]  }
0x397: {  	v1 =	vld [tilespmem:s9+$0x19400]  }
0x398: {  	v2 =	vld [tilespmem:s9+$0x19410]  }
0x399: {  	v3 =	vld [tilespmem:s9+$0x19420]  }
0x39a: {  	v4 =	vld [tilespmem:s9+$0x19430]  }
0x39b: {  	v5 =	vld [tilespmem:s9+$0x19480]  }
0x39c: {  	v6 =	vld [tilespmem:s9+$0x19490]  }
0x39d: {  	v7 =	vld [tilespmem:s9+$0x194A0]  }
0x39e: {  	v8 =	vld [tilespmem:s9+$0x194B0]  }
0x39f: {  	v9 =	vld [tilespmem:s9+$0x19500]  }
0x3a0: {  	v10 =	vld [tilespmem:s9+$0x19510]  }
0x3a1: {  	v11 =	vld [tilespmem:s9+$0x19520]  }
0x3a2: {  	v12 =	vld [tilespmem:s9+$0x19530]  }
0x3a3: {  	v13 =	vld [tilespmem:s9+$0x19580]  }
0x3a4: {  	v14 =	vld [tilespmem:s9+$0x19590]  }
0x3a5: {  	v15 =	vld [tilespmem:s9+$0x195A0]  }
0x3a6: {  	v16 =	vld [tilespmem:s9+$0x195B0]  }
0x3a7: {  	v17 =	vld [tilespmem:s9+$0x19600]  }
0x3a8: {  	v18 =	vld [tilespmem:s9+$0x19610]  }
0x3a9: {  	v19 =	vld [tilespmem:s9+$0x19620]  }
0x3aa: {  	v20 =	vld [tilespmem:s9+$0x19630]  }
0x3ab: {  	v21 =	vld [tilespmem:s9+$0x19680]  }
0x3ac: {  	v22 =	vld [tilespmem:s9+$0x19690]  }
0x3ad: {  	v23 =	vld [tilespmem:s9+$0x196A0]  }
0x3ae: {  	v24 =	vld [tilespmem:s9+$0x196B0]  }
0x3af: {  	v25 =	vld [tilespmem:s9+$0x19700]  }
0x3b0: {  	v26 =	vld [tilespmem:s9+$0x19710]  }
0x3b1: {  	v27 =	vld [tilespmem:s9+$0x19720]  }
0x3b2: {  	v28 =	vld [tilespmem:s9+$0x19730]  }
0x3b3: {  	v29 =	vld [tilespmem:s9+$0x19780]  }
0x3b4: {  	v30 =	vld [tilespmem:s9+$0x19790]  }
0x3b5: {  	[tilespmem:s9+$0xCFB0] =	vst.add.f32.msk $0xffff, v0  }
0x3b6: {  	v0 =	vld [tilespmem:s9+$0x197A0]  }
0x3b7: {  	[tilespmem:s9+$0xCC00] =	vst.add.f32.msk $0xffff, v1  }
0x3b8: {  	[tilespmem:s9+$0xCC10] =	vst.add.f32.msk $0xffff, v2  }
0x3b9: {  	[tilespmem:s9+$0xCC20] =	vst.add.f32.msk $0xffff, v3  }
0x3ba: {  	[tilespmem:s9+$0xCC30] =	vst.add.f32.msk $0xffff, v4  }
0x3bb: {  	[tilespmem:s9+$0xCC80] =	vst.add.f32.msk $0xffff, v5  }
0x3bc: {  	[tilespmem:s9+$0xCC90] =	vst.add.f32.msk $0xffff, v6  }
0x3bd: {  	[tilespmem:s9+$0xCCA0] =	vst.add.f32.msk $0xffff, v7  }
0x3be: {  	[tilespmem:s9+$0xCCB0] =	vst.add.f32.msk $0xffff, v8  }
0x3bf: {  	[tilespmem:s9+$0xCD00] =	vst.add.f32.msk $0xffff, v9  }
0x3c0: {  	[tilespmem:s9+$0xCD10] =	vst.add.f32.msk $0xffff, v10  }
0x3c1: {  	[tilespmem:s9+$0xCD20] =	vst.add.f32.msk $0xffff, v11  }
0x3c2: {  	[tilespmem:s9+$0xCD30] =	vst.add.f32.msk $0xffff, v12  }
0x3c3: {  	[tilespmem:s9+$0xCD80] =	vst.add.f32.msk $0xffff, v13  }
0x3c4: {  	[tilespmem:s9+$0xCD90] =	vst.add.f32.msk $0xffff, v14  }
0x3c5: {  	[tilespmem:s9+$0xCDA0] =	vst.add.f32.msk $0xffff, v15  }
0x3c6: {  	[tilespmem:s9+$0xCDB0] =	vst.add.f32.msk $0xffff, v16  }
0x3c7: {  	[tilespmem:s9+$0xCE00] =	vst.add.f32.msk $0xffff, v17  }
0x3c8: {  	[tilespmem:s9+$0xCE10] =	vst.add.f32.msk $0xffff, v18  }
0x3c9: {  	[tilespmem:s9+$0xCE20] =	vst.add.f32.msk $0xffff, v19  }
0x3ca: {  	[tilespmem:s9+$0xCE30] =	vst.add.f32.msk $0xffff, v20  }
0x3cb: {  	[tilespmem:s9+$0xCE80] =	vst.add.f32.msk $0xffff, v21  }
0x3cc: {  	[tilespmem:s9+$0xCE90] =	vst.add.f32.msk $0xffff, v22  }
0x3cd: {  	[tilespmem:s9+$0xCEA0] =	vst.add.f32.msk $0xffff, v23  }
0x3ce: {  	[tilespmem:s9+$0xCEB0] =	vst.add.f32.msk $0xffff, v24  }
0x3cf: {  	[tilespmem:s9+$0xCF00] =	vst.add.f32.msk $0xffff, v25  }
0x3d0: {  	[tilespmem:s9+$0xCF10] =	vst.add.f32.msk $0xffff, v26  }
0x3d1: {  	[tilespmem:s9+$0xCF20] =	vst.add.f32.msk $0xffff, v27  }
0x3d2: {  	[tilespmem:s9+$0xCF30] =	vst.add.f32.msk $0xffff, v28  }
0x3d3: {  	[tilespmem:s9+$0xCF80] =	vst.add.f32.msk $0xffff, v29  }
0x3d4: {  	s10 =	simm.s32 $0x1000;
	s4 =	simm.s32 $0x0;
	[tilespmem:s9+$0xCF90] =	vst.add.f32.msk $0xffff, v30  }
.LBB2_16:
0x3d5: {  	s4 =	sadd.s32 $0x8, s4;
	[tilespmem:s9+$0xCFA0] =	vst.add.f32.msk $0xffff, v0;
	s9 =	sshra.s32 s10, $0x2  }
0x3d6: {  	v0 =	vld [tilespmem:s9+$0x197B0];
	p0 =	slt.u32 s4, $0xC0  }
0x3d7: {  	v1 =	vld [tilespmem:s9+$0x19400]  }
0x3d8: {  	v2 =	vld [tilespmem:s9+$0x19410]  }
0x3d9: {  	v3 =	vld [tilespmem:s9+$0x19420]  }
0x3da: {  	v4 =	vld [tilespmem:s9+$0x19430]  }
0x3db: {  	[tilespmem:s9+$0xCFB0] =	vst.add.f32.msk $0xffff, v0  }
0x3dc: {  	v5 =	vld [tilespmem:s9+$0x19480]  }
0x3dd: {  	v6 =	vld [tilespmem:s9+$0x19490]  }
0x3de: {  	v7 =	vld [tilespmem:s9+$0x194A0]  }
0x3df: {  	v8 =	vld [tilespmem:s9+$0x194B0]  }
0x3e0: {  	v9 =	vld [tilespmem:s9+$0x19500]  }
0x3e1: {  	v10 =	vld [tilespmem:s9+$0x19510]  }
0x3e2: {  	v11 =	vld [tilespmem:s9+$0x19520]  }
0x3e3: {  	v12 =	vld [tilespmem:s9+$0x19530]  }
0x3e4: {  	v13 =	vld [tilespmem:s9+$0x19580]  }
0x3e5: {  	v14 =	vld [tilespmem:s9+$0x19590]  }
0x3e6: {  	v15 =	vld [tilespmem:s9+$0x195A0]  }
0x3e7: {  	v16 =	vld [tilespmem:s9+$0x195B0]  }
0x3e8: {  	v17 =	vld [tilespmem:s9+$0x19600]  }
0x3e9: {  	v18 =	vld [tilespmem:s9+$0x19610]  }
0x3ea: {  	v19 =	vld [tilespmem:s9+$0x19620]  }
0x3eb: {  	v20 =	vld [tilespmem:s9+$0x19630]  }
0x3ec: {  	v21 =	vld [tilespmem:s9+$0x19680]  }
0x3ed: {  	v22 =	vld [tilespmem:s9+$0x19690]  }
0x3ee: {  	v23 =	vld [tilespmem:s9+$0x196A0]  }
0x3ef: {  	v24 =	vld [tilespmem:s9+$0x196B0]  }
0x3f0: {  	v25 =	vld [tilespmem:s9+$0x19700]  }
0x3f1: {  	v26 =	vld [tilespmem:s9+$0x19710]  }
0x3f2: {  	v27 =	vld [tilespmem:s9+$0x19720]  }
0x3f3: {  	v28 =	vld [tilespmem:s9+$0x19730]  }
0x3f4: {  	v29 =	vld [tilespmem:s9+$0x19780]  }
0x3f5: {  	v30 =	vld [tilespmem:s9+$0x19790]  }
0x3f6: {  	v0 =	vld [tilespmem:s9+$0x197A0]  }
0x3f7: {  	[tilespmem:s9+$0xCC00] =	vst.add.f32.msk $0xffff, v1  }
0x3f8: {  	[tilespmem:s9+$0xCC10] =	vst.add.f32.msk $0xffff, v2  }
0x3f9: {  	[tilespmem:s9+$0xCC20] =	vst.add.f32.msk $0xffff, v3  }
0x3fa: {  	[tilespmem:s9+$0xCC30] =	vst.add.f32.msk $0xffff, v4  }
0x3fb: {  	[tilespmem:s9+$0xCC80] =	vst.add.f32.msk $0xffff, v5  }
0x3fc: {  	[tilespmem:s9+$0xCC90] =	vst.add.f32.msk $0xffff, v6  }
0x3fd: {  	[tilespmem:s9+$0xCCA0] =	vst.add.f32.msk $0xffff, v7  }
0x3fe: {  	[tilespmem:s9+$0xCCB0] =	vst.add.f32.msk $0xffff, v8  }
0x3ff: {  	[tilespmem:s9+$0xCD00] =	vst.add.f32.msk $0xffff, v9  }
0x400: {  	[tilespmem:s9+$0xCD10] =	vst.add.f32.msk $0xffff, v10  }
0x401: {  	[tilespmem:s9+$0xCD20] =	vst.add.f32.msk $0xffff, v11  }
0x402: {  	[tilespmem:s9+$0xCD30] =	vst.add.f32.msk $0xffff, v12  }
0x403: {  	[tilespmem:s9+$0xCD80] =	vst.add.f32.msk $0xffff, v13  }
0x404: {  	[tilespmem:s9+$0xCD90] =	vst.add.f32.msk $0xffff, v14  }
0x405: {  	[tilespmem:s9+$0xCDA0] =	vst.add.f32.msk $0xffff, v15  }
0x406: {  	[tilespmem:s9+$0xCDB0] =	vst.add.f32.msk $0xffff, v16  }
0x407: {  	[tilespmem:s9+$0xCE00] =	vst.add.f32.msk $0xffff, v17  }
0x408: {  	[tilespmem:s9+$0xCE10] =	vst.add.f32.msk $0xffff, v18  }
0x409: {  	[tilespmem:s9+$0xCE20] =	vst.add.f32.msk $0xffff, v19  }
0x40a: {  	[tilespmem:s9+$0xCE30] =	vst.add.f32.msk $0xffff, v20  }
0x40b: {  	[tilespmem:s9+$0xCE80] =	vst.add.f32.msk $0xffff, v21  }
0x40c: {  	[tilespmem:s9+$0xCE90] =	vst.add.f32.msk $0xffff, v22  }
0x40d: {  	[tilespmem:s9+$0xCEA0] =	vst.add.f32.msk $0xffff, v23  }
0x40e: {  	[tilespmem:s9+$0xCEB0] =	vst.add.f32.msk $0xffff, v24  }
0x40f: {  	[tilespmem:s9+$0xCF00] =	vst.add.f32.msk $0xffff, v25  }
.Ltmp7:
0x410: {  	[tilespmem:s9+$0xCF10] =	vst.add.f32.msk $0xffff, v26;
	(pc) =	sbr.rel @p0 .LBB2_16-.Ltmp7, $4  }
0x411: {  	[tilespmem:s9+$0xCF20] =	vst.add.f32.msk $0xffff, v27  }
0x412: {  	[tilespmem:s9+$0xCF30] =	vst.add.f32.msk $0xffff, v28  }
0x413: {  	[tilespmem:s9+$0xCF80] =	vst.add.f32.msk $0xffff, v29  }
0x414: {  	s10 =	sadd.s32 $0x1000, s10;
	[tilespmem:s9+$0xCF90] =	vst.add.f32.msk $0xffff, v30  }
0x415: {  	[tilespmem:s9+$0xCFA0] =	vst.add.f32.msk $0xffff, v0  }
0x416: {  	s4 =	simm.s32 $0x0;
	s9 =	rddreg [dreg:$0xe]  }
0x417: {  	[hbm4b:s9+s4] =	stream.linear.scatter [tilespmem:s11], [sflag:$0x7], $0x6400, $0x38;
	[tilespmem:$0x1F800] =	vst v63  }
0x418: {  	_ =	swait.ge [sflag:s13], $0x6400  }
0x419: {  	[sflag:s13] =	ssyncset.done $0x0  }
0x41a: {  	s9 =	simm.s32 $0x0;
	[sflag:s13] =	ssyncadd.s32 $0xFFFF9C00  }
0x41b: {  	v0 =	vld [tilespmem:s9+$0x197B0]  }
0x41c: {  	v1 =	vld [tilespmem:s9+$0x19400]  }
0x41d: {  	v2 =	vld [tilespmem:s9+$0x19410]  }
0x41e: {  	v3 =	vld [tilespmem:s9+$0x19420]  }
0x41f: {  	v4 =	vld [tilespmem:s9+$0x19430]  }
0x420: {  	v5 =	vld [tilespmem:s9+$0x19480]  }
0x421: {  	v6 =	vld [tilespmem:s9+$0x19490]  }
0x422: {  	v7 =	vld [tilespmem:s9+$0x194A0]  }
0x423: {  	v8 =	vld [tilespmem:s9+$0x194B0]  }
0x424: {  	v9 =	vld [tilespmem:s9+$0x19500]  }
0x425: {  	v10 =	vld [tilespmem:s9+$0x19510]  }
0x426: {  	v11 =	vld [tilespmem:s9+$0x19520]  }
0x427: {  	v12 =	vld [tilespmem:s9+$0x19530]  }
0x428: {  	v13 =	vld [tilespmem:s9+$0x19580]  }
0x429: {  	v14 =	vld [tilespmem:s9+$0x19590]  }
0x42a: {  	v15 =	vld [tilespmem:s9+$0x195A0]  }
0x42b: {  	v16 =	vld [tilespmem:s9+$0x195B0]  }
0x42c: {  	v17 =	vld [tilespmem:s9+$0x19600]  }
0x42d: {  	v18 =	vld [tilespmem:s9+$0x19610]  }
0x42e: {  	v19 =	vld [tilespmem:s9+$0x19620]  }
0x42f: {  	v20 =	vld [tilespmem:s9+$0x19630]  }
0x430: {  	v21 =	vld [tilespmem:s9+$0x19680]  }
0x431: {  	v22 =	vld [tilespmem:s9+$0x19690]  }
0x432: {  	v23 =	vld [tilespmem:s9+$0x196A0]  }
0x433: {  	v24 =	vld [tilespmem:s9+$0x196B0]  }
0x434: {  	v25 =	vld [tilespmem:s9+$0x19700]  }
0x435: {  	v26 =	vld [tilespmem:s9+$0x19710]  }
0x436: {  	v27 =	vld [tilespmem:s9+$0x19720]  }
0x437: {  	v28 =	vld [tilespmem:s9+$0x19730]  }
0x438: {  	v29 =	vld [tilespmem:s9+$0x19780]  }
0x439: {  	v30 =	vld [tilespmem:s9+$0x19790]  }
0x43a: {  	[tilespmem:s9+$0x133B0] =	vst.add.f32.msk $0xffff, v0  }
0x43b: {  	v0 =	vld [tilespmem:s9+$0x197A0]  }
0x43c: {  	[tilespmem:s9+$0x13000] =	vst.add.f32.msk $0xffff, v1  }
0x43d: {  	[tilespmem:s9+$0x13010] =	vst.add.f32.msk $0xffff, v2  }
0x43e: {  	[tilespmem:s9+$0x13020] =	vst.add.f32.msk $0xffff, v3  }
0x43f: {  	[tilespmem:s9+$0x13030] =	vst.add.f32.msk $0xffff, v4  }
0x440: {  	[tilespmem:s9+$0x13080] =	vst.add.f32.msk $0xffff, v5  }
0x441: {  	[tilespmem:s9+$0x13090] =	vst.add.f32.msk $0xffff, v6  }
0x442: {  	[tilespmem:s9+$0x130A0] =	vst.add.f32.msk $0xffff, v7  }
0x443: {  	[tilespmem:s9+$0x130B0] =	vst.add.f32.msk $0xffff, v8  }
0x444: {  	[tilespmem:s9+$0x13100] =	vst.add.f32.msk $0xffff, v9  }
0x445: {  	[tilespmem:s9+$0x13110] =	vst.add.f32.msk $0xffff, v10  }
0x446: {  	[tilespmem:s9+$0x13120] =	vst.add.f32.msk $0xffff, v11  }
0x447: {  	[tilespmem:s9+$0x13130] =	vst.add.f32.msk $0xffff, v12  }
0x448: {  	[tilespmem:s9+$0x13180] =	vst.add.f32.msk $0xffff, v13  }
0x449: {  	[tilespmem:s9+$0x13190] =	vst.add.f32.msk $0xffff, v14  }
0x44a: {  	[tilespmem:s9+$0x131A0] =	vst.add.f32.msk $0xffff, v15  }
0x44b: {  	[tilespmem:s9+$0x131B0] =	vst.add.f32.msk $0xffff, v16  }
0x44c: {  	[tilespmem:s9+$0x13200] =	vst.add.f32.msk $0xffff, v17  }
0x44d: {  	[tilespmem:s9+$0x13210] =	vst.add.f32.msk $0xffff, v18  }
0x44e: {  	[tilespmem:s9+$0x13220] =	vst.add.f32.msk $0xffff, v19  }
0x44f: {  	[tilespmem:s9+$0x13230] =	vst.add.f32.msk $0xffff, v20  }
0x450: {  	[tilespmem:s9+$0x13280] =	vst.add.f32.msk $0xffff, v21  }
0x451: {  	[tilespmem:s9+$0x13290] =	vst.add.f32.msk $0xffff, v22  }
0x452: {  	[tilespmem:s9+$0x132A0] =	vst.add.f32.msk $0xffff, v23  }
0x453: {  	[tilespmem:s9+$0x132B0] =	vst.add.f32.msk $0xffff, v24  }
0x454: {  	[tilespmem:s9+$0x13300] =	vst.add.f32.msk $0xffff, v25  }
0x455: {  	[tilespmem:s9+$0x13310] =	vst.add.f32.msk $0xffff, v26  }
0x456: {  	[tilespmem:s9+$0x13320] =	vst.add.f32.msk $0xffff, v27  }
0x457: {  	[tilespmem:s9+$0x13330] =	vst.add.f32.msk $0xffff, v28  }
0x458: {  	[tilespmem:s9+$0x13380] =	vst.add.f32.msk $0xffff, v29  }
0x459: {  	s10 =	simm.s32 $0x1000;
	s4 =	simm.s32 $0x0;
	[tilespmem:s9+$0x13390] =	vst.add.f32.msk $0xffff, v30  }
.LBB2_18:
0x45a: {  	s4 =	sadd.s32 $0x8, s4;
	[tilespmem:s9+$0x133A0] =	vst.add.f32.msk $0xffff, v0;
	s9 =	sshra.s32 s10, $0x2  }
0x45b: {  	v0 =	vld [tilespmem:s9+$0x197B0];
	p0 =	slt.u32 s4, $0xC0  }
0x45c: {  	v1 =	vld [tilespmem:s9+$0x19400]  }
0x45d: {  	v2 =	vld [tilespmem:s9+$0x19410]  }
0x45e: {  	v3 =	vld [tilespmem:s9+$0x19420]  }
0x45f: {  	v4 =	vld [tilespmem:s9+$0x19430]  }
0x460: {  	[tilespmem:s9+$0x133B0] =	vst.add.f32.msk $0xffff, v0  }
0x461: {  	v5 =	vld [tilespmem:s9+$0x19480]  }
0x462: {  	v6 =	vld [tilespmem:s9+$0x19490]  }
0x463: {  	v7 =	vld [tilespmem:s9+$0x194A0]  }
0x464: {  	v8 =	vld [tilespmem:s9+$0x194B0]  }
0x465: {  	v9 =	vld [tilespmem:s9+$0x19500]  }
0x466: {  	v10 =	vld [tilespmem:s9+$0x19510]  }
0x467: {  	v11 =	vld [tilespmem:s9+$0x19520]  }
0x468: {  	v12 =	vld [tilespmem:s9+$0x19530]  }
0x469: {  	v13 =	vld [tilespmem:s9+$0x19580]  }
0x46a: {  	v14 =	vld [tilespmem:s9+$0x19590]  }
0x46b: {  	v15 =	vld [tilespmem:s9+$0x195A0]  }
0x46c: {  	v16 =	vld [tilespmem:s9+$0x195B0]  }
0x46d: {  	v17 =	vld [tilespmem:s9+$0x19600]  }
0x46e: {  	v18 =	vld [tilespmem:s9+$0x19610]  }
0x46f: {  	v19 =	vld [tilespmem:s9+$0x19620]  }
0x470: {  	v20 =	vld [tilespmem:s9+$0x19630]  }
0x471: {  	v21 =	vld [tilespmem:s9+$0x19680]  }
0x472: {  	v22 =	vld [tilespmem:s9+$0x19690]  }
0x473: {  	v23 =	vld [tilespmem:s9+$0x196A0]  }
0x474: {  	v24 =	vld [tilespmem:s9+$0x196B0]  }
0x475: {  	v25 =	vld [tilespmem:s9+$0x19700]  }
0x476: {  	v26 =	vld [tilespmem:s9+$0x19710]  }
0x477: {  	v27 =	vld [tilespmem:s9+$0x19720]  }
0x478: {  	v28 =	vld [tilespmem:s9+$0x19730]  }
0x479: {  	v29 =	vld [tilespmem:s9+$0x19780]  }
0x47a: {  	v30 =	vld [tilespmem:s9+$0x19790]  }
0x47b: {  	v0 =	vld [tilespmem:s9+$0x197A0]  }
0x47c: {  	[tilespmem:s9+$0x13000] =	vst.add.f32.msk $0xffff, v1  }
0x47d: {  	[tilespmem:s9+$0x13010] =	vst.add.f32.msk $0xffff, v2  }
0x47e: {  	[tilespmem:s9+$0x13020] =	vst.add.f32.msk $0xffff, v3  }
0x47f: {  	[tilespmem:s9+$0x13030] =	vst.add.f32.msk $0xffff, v4  }
0x480: {  	[tilespmem:s9+$0x13080] =	vst.add.f32.msk $0xffff, v5  }
0x481: {  	[tilespmem:s9+$0x13090] =	vst.add.f32.msk $0xffff, v6  }
0x482: {  	[tilespmem:s9+$0x130A0] =	vst.add.f32.msk $0xffff, v7  }
0x483: {  	[tilespmem:s9+$0x130B0] =	vst.add.f32.msk $0xffff, v8  }
0x484: {  	[tilespmem:s9+$0x13100] =	vst.add.f32.msk $0xffff, v9  }
0x485: {  	[tilespmem:s9+$0x13110] =	vst.add.f32.msk $0xffff, v10  }
0x486: {  	[tilespmem:s9+$0x13120] =	vst.add.f32.msk $0xffff, v11  }
0x487: {  	[tilespmem:s9+$0x13130] =	vst.add.f32.msk $0xffff, v12  }
0x488: {  	[tilespmem:s9+$0x13180] =	vst.add.f32.msk $0xffff, v13  }
0x489: {  	[tilespmem:s9+$0x13190] =	vst.add.f32.msk $0xffff, v14  }
0x48a: {  	[tilespmem:s9+$0x131A0] =	vst.add.f32.msk $0xffff, v15  }
0x48b: {  	[tilespmem:s9+$0x131B0] =	vst.add.f32.msk $0xffff, v16  }
0x48c: {  	[tilespmem:s9+$0x13200] =	vst.add.f32.msk $0xffff, v17  }
0x48d: {  	[tilespmem:s9+$0x13210] =	vst.add.f32.msk $0xffff, v18  }
0x48e: {  	[tilespmem:s9+$0x13220] =	vst.add.f32.msk $0xffff, v19  }
0x48f: {  	[tilespmem:s9+$0x13230] =	vst.add.f32.msk $0xffff, v20  }
0x490: {  	[tilespmem:s9+$0x13280] =	vst.add.f32.msk $0xffff, v21  }
0x491: {  	[tilespmem:s9+$0x13290] =	vst.add.f32.msk $0xffff, v22  }
0x492: {  	[tilespmem:s9+$0x132A0] =	vst.add.f32.msk $0xffff, v23  }
0x493: {  	[tilespmem:s9+$0x132B0] =	vst.add.f32.msk $0xffff, v24  }
0x494: {  	[tilespmem:s9+$0x13300] =	vst.add.f32.msk $0xffff, v25  }
.Ltmp8:
0x495: {  	[tilespmem:s9+$0x13310] =	vst.add.f32.msk $0xffff, v26;
	(pc) =	sbr.rel @p0 .LBB2_18-.Ltmp8, $4  }
0x496: {  	[tilespmem:s9+$0x13320] =	vst.add.f32.msk $0xffff, v27  }
0x497: {  	[tilespmem:s9+$0x13330] =	vst.add.f32.msk $0xffff, v28  }
0x498: {  	[tilespmem:s9+$0x13380] =	vst.add.f32.msk $0xffff, v29  }
0x499: {  	s10 =	sadd.s32 $0x1000, s10;
	[tilespmem:s9+$0x13390] =	vst.add.f32.msk $0xffff, v30  }
0x49a: {  	[tilespmem:s9+$0x133A0] =	vst.add.f32.msk $0xffff, v0  }
0x49b: {  	s4 =	rddreg [dreg:$0xf]  }
0x49c: {  	[hbm4b:s4+s3] =	stream.linear.scatter [tilespmem:s20], [sflag:$0x8], $0x6400, $0x38;
	[tilespmem:$0x1F800] =	vst v63  }
0x49d: {  	_ =	swait.ge [sflag:s8], $0x6400  }
0x49e: {  	[sflag:s8] =	ssyncset.done $0x0  }
0x49f: {  	[sflag:s8] =	ssyncadd.s32 $0xFFFF9C00  }
0x4a0: {  	_ =	swait.ge [sflag:s1], $0x6400  }
0x4a1: {  	[sflag:s1] =	ssyncset.done $0x0  }
0x4a2: {  	[sflag:s1] =	ssyncadd.s32 $0xFFFF9C00  }
0x4a3: {  	_ =	swait.ge [sflag:s12], $0x6400  }
0x4a4: {  	[sflag:s12] =	ssyncset.done $0x0  }
0x4a5: {  	[sflag:s12] =	ssyncadd.s32 $0xFFFF9C00  }
0x4a6: {  	_ =	swait.ge [sflag:s21], $0x6400  }
0x4a7: {  	s14 =	rddreg [dreg:$0x11]  }
0x4a8: {  	s22 =	rddreg [dreg:$0x10];
	s9 =	sadd.s32 $0x1, s14  }
0x4a9: {  	p0 =	sne.s32 s9, s22  }
.Ltmp9:
0x4aa: {  	_ = 	snop;
	(pc) =	sbr.rel @p0 .LBB2_1-.Ltmp9, $3  }
0x4ab: {  	_ =	sdelay $0x1  }
0x4ac: {  	[sflag:s21] =	ssyncset.done $0x0  }
0x4ad: {  	[sflag:s21] =	ssyncadd.s32 $0xFFFF9C00  }
0x4ae: {  	_ =	sfence.sel $0x180000  }
0x4af: {  	[bflag:$0x0] =	sbarrier.arrive $0xFFFF  }
0x4b0: {  	_ =	strace $0x90000047  }
0x4b1: {  	s0 =	stileid.u32;
	[bflag:$0x2] =	sbarrier.arrive $0xFFFF  }
0x4b2: {  	p0 =	sne.s32 s0, $0x0;
	s0 =	rddreg [dreg:$0x2]  }
0x4b3: {  	s0 =	sadd.s32 @!p0 $0x100000, s0  }
0x4b4: {  	[sflag:s0] =	ssyncadd.tile.s32 @!p0 $0x1;
	_ =	shalt  }
.Lfunc_end2:
_tile_overlayer_lowered:
.L_overlay_start_2:
0x4b5: {  	(tag) =	ssettag $0x2  }
0x4b6: {  	s0 =	rddreg [dreg:$0x0];
	s2 =	stileid.u32  }
0x4b7: {  	s1 =	rddreg [dreg:$0x1];
	p0 =	sne.s32 s2, $0x0  }
0x4b8: {  	s3 =	rddreg [dreg:$0x2];
	[bflag:$0x3] =	sbarrier.arrive $0xFFFF;
	s2 =	simm.s32 @!p0 $0x1C09  }
0x4b9: {  	[timem:s3], [sflag:s2] =	dma.local @!p0 [hbm:s0], s1  }
0x4ba: {  	s0 =	simm.s32 @!p0 $0x9  }
0x4bb: {  	_ =	swait.ge @!p0 [sflag:s0], s1  }
0x4bc: {  	s1 =	ssub.s32 @!p0 $0x0, s1;
	[sflag:s0] =	ssyncset.done @!p0 $0x0  }
0x4bd: {  	[sflag:s0] =	ssyncadd.s32 @!p0 s1  }
0x4be: {  	[bflag:$0x3] =	sbarrier.arrive $0xFFFF  }
0x4bf: {  	_ =	shalt  }

// kernel: sparse-core-data-format-call.cloned.1.call-start
scs
called_computation_lowered:
.L_overlay_start_0:
0x0: {  	s2 =	sld [smem:$0x3FD9]  }
0x1: {  	s3 =	sld [smem:$0x3FFE];
	_ =	sdelay $0x1  }
0x2: {  	s1 =	srdreg.scid  }
0x3: {  	s0 =	sand.u32 $0x1, s1  }
0x4: {  	s18 =	sshll.u32 s0, $0xA;
	s2 =	sadd.s32 s3, s2  }
0x5: {  	s2 =	sadd.s32 s2, s18  }
0x6: {  	[smem:$0x3FC5] =	sst s2  }
0x7: {  	_ = 	snop  }
0x8: {  	s2 =	sld [smem:$0x3FD0];
	(tm) =	ssettm $0x1  }
0x9: {  	s19 =	sld [smem:$0x3FFB];
	_ =	sdelay $0x3  }
0xa: {  	_ =	strace s19  }
0xb: {  	s3 =	sld [smem:$0x3FFC];
	_ =	sdelay $0x3  }
0xc: {  	_ =	strace s3  }
0xd: {  	s3 =	sld [smem:$0x3FFD];
	_ =	sdelay $0x3  }
0xe: {  	_ =	strace s3  }
0xf: {  	_ =	strace $0x8FFFFFFF  }
0x10: {  	s20 =	sld [smem:$0x3FDB];
	_ =	sdelay $0x1  }
0x11: {  	s4 =	simm.s32 $_scs_section_size  }
0x12: {  	s5 =	simm.s32 $_size__tile_overlayer_lowered;
	s6 =	simm.s32 $_tile_overlayer_lowered  }
0x13: {  	s23 =	simm.s32 $0x1BFF;
	s22 =	sshll.u32 s6, $0x1;
	s3 =	sadd.s32 s4, s20  }
0x14: {  	s7 =	simm.s32 $0x0;
	s21 =	sshll.u32 s5, $0x1;
	s5 =	sadd.s32 s22, s3  }
0x15: {  	[timem:s7], [sflag:s23] =	dma.local [hbm:s5], s21  }
0x16: {  	_ =	swait.ge [sflag:s23], s21  }
0x17: {  	s4 =	ssub.s32 $0x0, s21;
	[sflag:s23] =	ssyncset.done $0x0  }
0x18: {  	[sflag:s23] =	ssyncadd.s32 s4;
	_ =	sdelay $0x1  }
0x19: {  	s24 =	simm.s32 $0x1B8B  }
0x1a: {  	_ =	swait.ge [sflag:s24], $0x1  }
0x1b: {  	[sflag:s24] =	ssyncset.done $0x0  }
0x1c: {  	s26 =	simm.s32 $0x1B8E;
	s25 =	sld [smem:$0x3FFE];
	[sflag:s24] =	ssyncadd.s32 $0xFFFFFFFF  }
0x1d: {  	s27 =	simm.s32 $execute0_lowered;
	[smem:$0x3FD2] =	sst s26  }
0x1e: {  	s5 =	sshll.u32 s27, $0x1;
	_ =	strace $0x80000049;
	[dreg:$0x1] =	wrdreg $0xFFFFFFFF  }
0x1f: {  	s28 =	simm.s32 $_size_execute0_lowered;
	s3 =	sadd.s32 s3, s5;
	[dreg:$0x0] =	wrdreg $0x0  }
0x20: {  	s5 =	sshll.u32 s28, $0x1;
	[dreg:$0x2] =	wrdreg s3  }
0x21: {  	[dreg:$0x3] =	wrdreg s5  }
0x22: {  	[dreg:$0x4] =	wrdreg $0xC0  }
0x23: {  	_ =	task [dreg:s7], $0x5FFFF  }
0x24: {  	[dreg:$0x1] =	wrdreg $0xFFFFFFFF  }
0x25: {  	[dreg:$0x0] =	wrdreg $0x60  }
0x26: {  	[dreg:$0x2] =	wrdreg s25  }
0x27: {  	[dreg:$0x3] =	wrdreg s2  }
0x28: {  	[dreg:$0x4] =	wrdreg $0x9  }
0x29: {  	_ =	task.clear_ibuf [dreg:s7], $0x5FFFF;
	_ =	strace $0x90000049  }
0x2a: {  	s29 =	simm.s32 $0x9;
	_ =	strace $0x8000004B  }
0x2b: {  	_ =	swait.ge [sflag:s29], $0x1  }
0x2c: {  	[sflag:s29] =	ssyncadd.s32 $0xFFFFFFFF  }
0x2d: {  	_ =	strace $0x9000004B  }
0x2e: {  	_ =	sfence  }
0x2f: {  	s30 =	sld [smem:$0x0];
	_ =	sdelay $0x2  }
0x30: {  	s31 =	sshll.u32 s1, $0xD;
	s1 =	sshrl.u32 s1, $0x2  }
0x31: {  	s3 =	sand.u32 $0x4000, s31;
	s1 =	sadd.s32 s1, s30  }
0x32: {  	s0 =	sor.u32 s3, s0;
	s1 =	sshll.u32 s1, $0x11  }
0x33: {  	s0 =	sor.u32 s1, s0  }
0x34: {  	s0 =	sadd.s32 $0x8F2B, s0  }
0x35: {  	[sflag:s0] =	ssyncadd.remote.s32 $0x1  }
0x36: {  	_ =	sfence.sel $0xFFFF  }
0x37: {  	[dreg:$0x0] =	wrdreg $0xFFFFFFFF;
	(pc) =	sbr.abs _section_cstart, $3  }
0x38: {  	[dreg:$0x1] =	wrdreg $0xFFFFFFFF  }
0x39: {  	_ =	task.clear_ibuf [dreg:s7], $0x2FFFF;
	_ =	strace $0x9FFFFFFF  }
0x3a: {  	(tm) =	ssettm $0x7FFFFFFF  }
0x3b: {  	_ =	shalt  }
tec
execute0_lowered:
.L_overlay_start_1:
0x0: {  	(tag) =	ssettag $0x1  }
0x1: {  	s0 =	stileid.u32;
	s6 =	rddreg [dreg:$0x0]  }
0x2: {  	s2 =	rddreg [dreg:$0x1];
	s5 =	srdreg.scid  }
0x3: {  	s31 =	simm.s32 $0x2;
	s13 =	simm.s32 $0x0;
	s1 =	sshll.u32 s0, $0x7  }
0x4: {  	s14 =	simm.s32 $0x0;
	s12 =	simm.s32 $0x0;
	s3 =	sand.u32 $0x380, s1  }
0x5: {  	s5 =	sshll.u32 s5, $0x4;
	s6 =	sadd.s32 $0x1C00, s6;
	s4 =	ssub.s32 $0x400, s3  }
0x6: {  	s1 =	rddreg [dreg:$0x2];
	_ =	strace $0x8000004A;
	s7 =	sand.u32 $0x380, s4  }
0x7: {  	s5 =	sand.u32 $0x10, s5;
	p0 =	sne.s32 s7, $0x0;
	s7 =	simm.s32 $0x1  }
.Ltmp0:
0x8: {  	s8 =	sshrl.u32 s4, $0xA;
	s7 =	simm.s32 @!p0 $0x0;
	(pc) =	sbr.rel .LBB1_1-.Ltmp0, $4  }
0x9: {  	s9 =	sor.u32 s0, s5;
	s4 =	simm.s32 $0x1;
	s30 =	sadd.s32 s7, s8  }
0xa: {  	s11 =	smov.u32 s3;
	[sflag:s4] =	ssyncpa.u1 $0x0;
	s5 =	smul.u32 $0x32, s30  }
0xb: {  	[sflag:s31] =	ssyncpa.u1 $0x0;
	p0 =	por $0x0, $0x0;
	s7 =	sshrl.u32 s9, $0x3  }
0xc: {  	s9 =	simm.s32 $0x2000;
	s10 =	smov.u32 s7;
	s8 =	sor.u32 $0x1, s5  }
.LBB1_4:
0xd: {  	s17 =	sand.u32 $0x1F80, s14;
	s13 =	sshll.u32 s13, $0xD  }
0xe: {  	[tilespmem:s16+$0x810 ss:$0x81] =	vst.msk $0xffff, v2;
	s18 =	sshrl.u32 s14, $0x3;
	s31 =	sand.u32 $0x7, s14;
	s17 =	sadd.s32 s2, s17  }
0xf: {  	[tilespmem:s16+$0x1020 ss:$0x81] =	vst.msk $0xffff, v0;
	s18 =	sand.u32 $0xF, s18;
	s14 =	sshll.u32 s31, $0x12;
	s13 =	sadd.s32 s13, s17  }
0x10: {  	[tilespmem:s16+$0x0 ss:$0x81] =	vst.msk $0xffff, v1;
	s14 =	sor.u32 $0x400, s14;
	s13 =	sadd.s32 s18, s13  }
0x11: {  	[hbm4b:s13+s14] =	stream.strided.scatter [tilespmem:s15], [sflag:$0x2], $0x2000, s9, s14, $0x20;
	[tilespmem:$0x8080] =	vst v63  }
.LBB1_5:
0x12: {  	s15 =	sadd.s32 $0x4, s10  }
0x13: {  	s13 =	sadd.s32 $0x400, s11;
	s17 =	smov.u32 s11;
	p2 =	sgt.s32 s15, $0xC7  }
0x14: {  	s17 =	smov.u32 @p2 s13  }
0x15: {  	s15 =	smov.u32 @p2 s7;
	p2 =	sgt.s32 s17, $0x3FF  }
0x16: {  	s17 =	smov.u32 @p2 s3;
	p2 =	sne.s32 s12, s8  }
.Ltmp1:
0x17: {  	p1 =	slt.u32 s12, $0x2;
	(pc) =	sbr.rel @!p2 .LBB1_6-.Ltmp1, $4  }
0x18: {  	s16 =	simm.s32 @!p1 $0x2  }
0x19: {  	s14 =	smov.u32 s11;
	p0 =	por !p0, !p0;
	_ =	swait.ge @!p1 [sflag:s16], $0x2000  }
0x1a: {  	s13 =	smov.u32 s10;
	[sflag:s16] =	ssyncset.done @!p1 $0x0;
	s10 =	smov.u32 s15  }
0x1b: {  	s12 =	sadd.s32 $0x1, s12;
	[sflag:s16] =	ssyncadd.s32 @!p1 $0xFFFFE000;
	s11 =	smov.u32 s17  }
.LBB1_1:
0x1c: {  	p1 =	sge.u32 s12, s5  }
0x1d: {  	s15 =	sand.u32 @!p1 $0x1FFFFFF, s10  }
0x1e: {  	s16 =	smulhi.u32 @!p1 $0x147AE15, s15;
	_ =	sdelay $0x1  }
0x1f: {  	s16 =	smul.u32 @!p1 $0xC8, s16  }
0x20: {  	s17 =	sxor.u32 @!p1 $0xFFFFFFFF, s12;
	s18 =	smul.u32 @!p1 $0xC80, s11  }
0x21: {  	s31 =	sadd.s32 $0xFFFFFFFF, s12;
	s17 =	sshll.u32 @!p1 s17, $0xD;
	s15 =	ssub.s32 @!p1 s15, s16  }
0x22: {  	s16 =	sand.u32 @!p1 $0x2000, s17;
	s17 =	sadd.s32 @!p1 s6, s18;
	s15 =	sshll.u32 @!p1 s15, $0x4  }
0x23: {  	s18 =	simm.s32 @!p1 $0x6400;
	s15 =	sadd.s32 @!p1 s15, s17;
	s17 =	simm.s32 @!p1 $0x40  }
0x24: {  	[tilespmem:s16], [sflag:$0x1] =	stream.strided.gather @!p1 [hbm4b:s15+s17], $0x2000, s18, s17, $0x38;
	[tilespmem:$0x8080] =	vst v63  }
0x25: {  	p1 =	sge.u32 s31, s5  }
.Ltmp2:
0x26: {  	_ = 	snop;
	(pc) =	sbr.rel @p1 .LBB1_5-.Ltmp2, $1  }
0x27: {  	_ =	sdelay $0x3  }
0x28: {  	s15 =	simm.s32 $0x1  }
0x29: {  	_ =	swait.ge [sflag:s4], $0x2000;
	s15 =	simm.s32 @!p0 $0x0  }
0x2a: {  	[sflag:s4] =	ssyncset.done $0x0;
	s16 =	sshll.u32 s15, $0xD  }
0x2b: {  	[sflag:s4] =	ssyncadd.s32 $0xFFFFE000;
	s19 =	sor.u32 $0x20, s16  }
0x2c: {  	s15 =	smul.u32 $0x8100, s15;
	v3 =	vld [tilespmem:s19+$0x10]  }
0x2d: {  	s30 =	sand.u32 $0x1, s12;
	v2 =	vld [tilespmem:s19+$0xFFFFFFF0]  }
0x2e: {  	s16 =	smul.u32 $0x8100, s30;
	s15 =	sshrl.u32 s15, $0x2;
	v0 =	vld [tilespmem:s19+$0x0]  }
0x2f: {  	v1 =	vld [tilespmem:s19+$0xFFFFFFE0];
	s17 =	sor.u32 $0x4000, s15  }
0x30: {  	s31 =	sshrl.u32 s16, $0x2;
	s16 =	sadd.s32 $0x0, s17  }
0x31: {  	s18 =	simm.s32 $0x4;
	s19 =	sadd.s32 $0x40, s19;
	s15 =	sor.u32 $0x4000, s31;
	[tilespmem:s16+$0x1830 ss:$0x81] =	vst.msk $0xffff, v3  }
.LBB1_3:
0x32: {  	v3 =	vld [tilespmem:s19+$0x10];
	p1 =	sne.s32 s18, $0x1FC;
	[tilespmem:s16+$0x810 ss:$0x81] =	vst.msk $0xffff, v2;
	s20 =	smov.u32 s18;
	s18 =	sadd.s32 $0x4, s18  }
.Ltmp3:
0x33: {  	v2 =	vld [tilespmem:s19+$0xFFFFFFF0];
	[tilespmem:s16+$0x1020 ss:$0x81] =	vst.msk $0xffff, v0;
	(pc) =	sbr.rel @p1 .LBB1_3-.Ltmp3, $4  }
0x34: {  	v0 =	vld [tilespmem:s19+$0x0];
	[tilespmem:s16+$0x0 ss:$0x81] =	vst.msk $0xffff, v1  }
0x35: {  	s16 =	sshra.s32 s20, $0x2;
	v1 =	vld [tilespmem:s19+$0xFFFFFFE0]  }
0x36: {  	s16 =	sadd.s32 s16, s17  }
0x37: {  	s19 =	sadd.s32 $0x40, s19;
	[tilespmem:s16+$0x1830 ss:$0x81] =	vst.msk $0xffff, v3  }
.Ltmp4:
0x38: {  	_ = 	snop;
	(pc) =	sbr.rel .LBB1_4-.Ltmp4, $1  }
0x39: {  	_ =	sdelay $0x3  }
.LBB1_6:
0x3a: {  	_ =	sfence.sel $0x180000  }
0x3b: {  	s2 =	simm.s32 $0x1;
	[bflag:$0x0] =	sbarrier.arrive $0xFFFF  }
0x3c: {  	s31 =	simm.s32 $0x2;
	[sflag:s2] =	ssyncpa.u1 $0x1  }
0x3d: {  	[sflag:s31] =	ssyncpa.u1 $0x1  }
0x3e: {  	p0 =	sne.s32 s0, $0x0;
	_ =	strace $0x9000004A  }
0x3f: {  	s0 =	sadd.s32 @!p0 $0x100000, s1;
	[bflag:$0x2] =	sbarrier.arrive $0xFFFF  }
0x40: {  	[sflag:s0] =	ssyncadd.tile.s32 @!p0 $0x1;
	_ =	shalt  }
.Lfunc_end1:
_tile_overlayer_lowered:
.L_overlay_start_2:
0x41: {  	(tag) =	ssettag $0x2  }
0x42: {  	s0 =	rddreg [dreg:$0x0];
	s2 =	stileid.u32  }
0x43: {  	s1 =	rddreg [dreg:$0x1];
	p0 =	sne.s32 s2, $0x0  }
0x44: {  	s3 =	rddreg [dreg:$0x2];
	[bflag:$0x3] =	sbarrier.arrive $0xFFFF;
	s2 =	simm.s32 @!p0 $0x1C01  }
0x45: {  	[timem:s3], [sflag:s2] =	dma.local @!p0 [hbm:s0], s1  }
0x46: {  	s0 =	simm.s32 @!p0 $0x1  }
0x47: {  	_ =	swait.ge @!p0 [sflag:s0], s1  }
0x48: {  	s1 =	ssub.s32 @!p0 $0x0, s1;
	[sflag:s0] =	ssyncset.done @!p0 $0x0  }
0x49: {  	[sflag:s0] =	ssyncadd.s32 @!p0 s1  }
0x4a: {  	[bflag:$0x3] =	sbarrier.arrive $0xFFFF  }
0x4b: {  	_ =	shalt  }

</sc_bundles>
